<compile_context>
chip_gen: v7x
topology: tpu7x:2x2x1
jax: 0.10.2.dev20260603
libtpu: 0.0.44.dev20260713+nightly
codegen_flags: <defaults>
</compile_context>

<pallas_src>
import functools

import jax
import jax.numpy as jnp
from jax import lax
from jax.experimental import pallas as pl
from jax.experimental.pallas import tpu as pltpu
from jax.experimental.pallas import tpu_sc as plsc

_BIG = 1e30
_K = 16
_BR = 256


def _leaky(v):
    return jnp.where(v >= 0, v, 0.01 * v)


def _knn_body(x_ref, pos_ref, posT_ref, brow_ref, bcol_ref, wc_ref, bc_ref,
              idx_ref, a_ref, b_ref):
    i = pl.program_id(0)
    n = posT_ref.shape[1]
    l2 = a_ref.shape[1]

    ab = jnp.dot(x_ref[...], wc_ref[...], preferred_element_type=jnp.float32)
    ab = ab + bc_ref[0:1, :]
    a_ref[...] = ab[:, :l2]
    b_ref[...] = ab[:, l2:]

    pos = pos_ref[...]
    pT = posT_ref[...]
    sqr = jnp.sum(pos * pos, axis=1, keepdims=True)
    sqc = jnp.sum(pT * pT, axis=0, keepdims=True)
    d2 = (sqr + sqc) - 2.0 * jnp.dot(pos, pT, preferred_element_type=jnp.float32)

    cols = lax.broadcasted_iota(jnp.int32, (_BR, n), 1)
    rows = i * _BR + lax.broadcasted_iota(jnp.int32, (_BR, n), 0)
    invalid = (brow_ref[...] != bcol_ref[0:1, :]) | (cols == rows)
    d2 = jnp.where(invalid, _BIG, d2)

    picked = []
    for _ in range(_K):
        v = jnp.min(d2, axis=1, keepdims=True)
        cand = jnp.where(d2 == v, cols, jnp.int32(n))
        c = jnp.min(cand, axis=1, keepdims=True)
        picked.append(c)
        d2 = jnp.where(cols == c, float("inf"), d2)
    idx_ref[...] = jnp.concatenate(picked, axis=1)


def _edge_body(a_ref, g_ref, w2_ref, b2_ref, o_ref):
    a = a_ref[...]
    w2 = w2_ref[...]
    b2 = b2_ref[0:1, :]
    mx = None
    ms = None
    for k in range(_K):
        h = _leaky(g_ref[k] + a)
        m = _leaky(jnp.dot(h, w2, preferred_element_type=jnp.float32) + b2)
        mx = m if k == 0 else jnp.maximum(mx, m)
        ms = m if k == 0 else ms + m
    o_ref[...] = _leaky(jnp.concatenate([mx, ms * (1.0 / _K), ms], axis=1))


def _sc_gather(table, idxp, n_rows, d):
    info = plsc.get_sparse_core_info()
    nw = info.num_cores * info.num_subcores
    epw = n_rows // nw
    ch = 128
    mesh = plsc.VectorSubcoreMesh(core_axis_name="c", subcore_axis_name="s")

    @functools.partial(
        pl.kernel,
        mesh=mesh,
        out_type=jax.ShapeDtypeStruct((n_rows, d), jnp.float32),
        scratch_types=[
            pltpu.VMEM((ch,), jnp.int32),
            pltpu.VMEM((ch, d), jnp.float32),
            pltpu.SemaphoreType.DMA,
        ],
    )
    def gather_k(table_hbm, idx_hbm, out_hbm, idx_v, rows_v, sem):
        wid = lax.axis_index("s") * info.num_cores + lax.axis_index("c")
        base = wid * epw

        def body(j, carry):
            off = base + j * ch
            pltpu.sync_copy(idx_hbm.at[pl.ds(off, ch)], idx_v)
            pltpu.async_copy(table_hbm.at[idx_v], rows_v, sem).wait()
            pltpu.sync_copy(rows_v, out_hbm.at[pl.ds(off, ch)])
            return carry

        lax.fori_loop(0, epw // ch, body, 0)

    return gather_k(table, idxp)


def kernel(x, edge_index, batch, W1, b1, W2, b2):
    n, l1 = x.shape
    l2 = W1.shape[1]
    l3 = W2.shape[1]
    nb = n // _BR

    pos_pad = jnp.pad(x[:, :3], ((0, 0), (0, 5)))
    posT = pos_pad.T
    batch_row = batch.reshape(n, 1)
    batch_col = jnp.broadcast_to(batch.reshape(1, n), (8, n))
    wc = jnp.concatenate([W1[:l1] - W1[l1:], W1[l1:]], axis=1)
    bc = jnp.broadcast_to(
        jnp.concatenate([b1, jnp.zeros_like(b1)]).reshape(1, 2 * l2), (8, 2 * l2))
    b2p = jnp.broadcast_to(b2.reshape(1, l3), (8, l3))

    idx, a_arr, b_arr = pl.pallas_call(
        _knn_body,
        grid=(nb,),
        in_specs=[
            pl.BlockSpec((_BR, l1), lambda i: (i, 0)),
            pl.BlockSpec((_BR, 8), lambda i: (i, 0)),
            pl.BlockSpec((8, n), lambda i: (0, 0)),
            pl.BlockSpec((_BR, 1), lambda i: (i, 0)),
            pl.BlockSpec((8, n), lambda i: (0, 0)),
            pl.BlockSpec((l1, 2 * l2), lambda i: (0, 0)),
            pl.BlockSpec((8, 2 * l2), lambda i: (0, 0)),
        ],
        out_specs=[
            pl.BlockSpec((_BR, _K), lambda i: (i, 0)),
            pl.BlockSpec((_BR, l2), lambda i: (i, 0)),
            pl.BlockSpec((_BR, l2), lambda i: (i, 0)),
        ],
        out_shape=[
            jax.ShapeDtypeStruct((n, _K), jnp.int32),
            jax.ShapeDtypeStruct((n, l2), jnp.float32),
            jax.ShapeDtypeStruct((n, l2), jnp.float32),
        ],
    )(x, pos_pad, posT, batch_row, batch_col, wc, bc)

    idx_perm = idx.T.reshape(-1)
    g = _sc_gather(b_arr, idx_perm, n * _K, l2).reshape(_K, n, l2)

    out = pl.pallas_call(
        _edge_body,
        grid=(nb,),
        in_specs=[
            pl.BlockSpec((_BR, l2), lambda i: (i, 0)),
            pl.BlockSpec((_K, _BR, l2), lambda i: (0, i, 0)),
            pl.BlockSpec((l2, l3), lambda i: (0, 0)),
            pl.BlockSpec((8, l3), lambda i: (0, 0)),
        ],
        out_specs=pl.BlockSpec((_BR, 3 * l3), lambda i: (i, 0)),
        out_shape=jax.ShapeDtypeStruct((n, 3 * l3), jnp.float32),
    )(a_arr, g, W2, b2p)

    rows = jnp.repeat(jnp.arange(n, dtype=idx.dtype), _K)
    new_edge_index = jnp.stack([idx.reshape(-1), rows], axis=0)
    return (out, new_edge_index)

# --- scband reference (transcript-rebuilt; emitter-appended) ---
"""Pipeline reference for scband-block-14336600834591 (READ-ONLY COPY).

The authoritative reference and input builder live on the scoring server;
editing this copy changes nothing except your own understanding.
"""

import jax, jax.numpy as jnp
import numpy as np


def _leaky(x):
    return jnp.where(x >= 0, x, 0.01 * x)


def setup_inputs(seed: int = 0):
    key = jax.random.key(seed)
    ks = jax.random.split(key, 8)
    N, l1, l2, l3, K = 4096, 128, 256, 128, 16
    x = jax.random.normal(ks[0], (N, l1), dtype=jnp.float32)
    edge_index = jax.random.randint(ks[1], (2, N * K), 0, N, dtype=jnp.int32)
    batch = jnp.sort(jax.random.randint(ks[2], (N,), 0, 4, dtype=jnp.int32))
    W1 = jax.random.normal(ks[3], (2 * l1, l2), dtype=jnp.float32) * 0.05
    b1 = jnp.zeros((l2,), dtype=jnp.float32)
    W2 = jax.random.normal(ks[4], (l2, l3), dtype=jnp.float32) * 0.05
    b2 = jnp.zeros((l3,), dtype=jnp.float32)
    return {"x": x, "edge_index": edge_index, "batch": batch,
            "W1": W1, "b1": b1, "W2": W2, "b2": b2}


def reference(x, edge_index, batch, W1, b1, W2, b2):
    # edge_index input is ignored by the module: it recomputes knn_graph from pos.
    K = 16
    N = x.shape[0]
    pos = x[:, :3]
    sq = jnp.sum(pos * pos, axis=1)
    d2 = sq[:, None] + sq[None, :] - 2.0 * (pos @ pos.T)
    big = jnp.float32(1e30)
    d2 = jnp.where(batch[:, None] != batch[None, :], big, d2)  # restrict to same cloud
    d2 = d2 + big * jnp.eye(N, dtype=d2.dtype)                 # no self loops
    _, idx = jax.lax.top_k(-d2, K)                             # [N, K] nearest neighbors
    xi = jnp.broadcast_to(x[:, None, :], (N, K, x.shape[1]))
    xj = x[idx]
    feat = jnp.concatenate([xi, xj - xi], axis=-1)             # EdgeConv message input
    m = _leaky(_leaky(feat @ W1 + b1) @ W2 + b2)               # shared nn_conv1 (same weights)
    x_max = jnp.max(m, axis=1)
    x_mean = jnp.mean(m, axis=1)
    x_add = jnp.sum(m, axis=1)
    out = _leaky(jnp.concatenate([x_max, x_mean, x_add], axis=1))
    new_edge_index = jnp.stack(
        [idx.reshape(-1), jnp.repeat(jnp.arange(N, dtype=idx.dtype), K)], axis=0)
    return (out, new_edge_index)

if __name__ == "__main__":
    import jax
    _d = setup_inputs()
    print(jax.jit(kernel)(*tuple(_d.values())))

</pallas_src>

<mosaic_0001>
#map = affine_map<(d0, d1) -> (0, 0)>
#map1 = affine_map<(d0, d1) -> (0)>
module attributes {stable_mosaic.version = 14 : i64} {
  func.func @gather_k(%arg0: i32, %arg1: i32, %arg2: memref<4096x256xf32, #tpu.memory_space<hbm>>, %arg3: memref<65536xi32, #tpu.memory_space<hbm>>, %arg4: memref<65536x256xf32, #tpu.memory_space<hbm>>, %arg5: memref<128xi32, #tpu.memory_space<vmem>>, %arg6: memref<128x256xf32, #tpu.memory_space<vmem>>, %arg7: memref<!tpu.dma_semaphore, #tpu.memory_space<semaphore_mem>>) attributes {dimension_semantics = [#tpu.dimension_semantics<core_parallel>, #tpu.dimension_semantics<subcore_parallel>], iteration_bounds = array<i64: 2, 16>, scalar_prefetch = 0 : i64, scratch_operands = 3 : i64, tpu.core_type = #tpu.core_type<sc_vector_subcore>, window_params = [{transform_indices = #map}, {transform_indices = #map1}, {transform_indices = #map}]} {
    %mul3A = arith.constant 2 : i32
    %mul3A_0 = arith.muli %arg1, %mul3A : i32
    %add3A = arith.addi %mul3A_0, %arg0 : i32
    %mul3A_1 = arith.constant 2048 : i32
    %mul3A_2 = arith.muli %add3A, %mul3A_1 : i32
    %scan3A = arith.constant 0 : i32
    %scan3A_3 = arith.constant 0 : i32
    %scan3A_4 = arith.constant 16 : i32
    %scan3A_5 = arith.addi %scan3A_3, %scan3A_4 : i32
    %scan3A_6 = arith.constant 1 : i32
    scf.for %scan3A_8 = %scan3A_3 to %scan3A_5 step %scan3A_6  : i32 {
      %mul3A_9 = arith.constant 128 : i32
      %mul3A_10 = arith.muli %scan3A_8, %mul3A_9 : i32
      %add3A_11 = arith.addi %mul3A_2, %mul3A_10 : i32
      "tpu.region"() ({
        %run_scoped3A = tpu.sem_alloc : memref<!tpu.dma_semaphore, #tpu.memory_space<semaphore_mem>>
        %dma_start3A_16 = tpu.memref_slice %arg3[%add3A_11] : memref<65536xi32, #tpu.memory_space<hbm>> -> memref<128xi32, #tpu.memory_space<hbm>>
        %dma_start3A_17 = tpu.memref_slice %arg3[%add3A_11] : memref<65536xi32, #tpu.memory_space<hbm>> -> memref<128xi32, #tpu.memory_space<hbm>>
        tpu.enqueue_dma source(%dma_start3A_17 : memref<128xi32, #tpu.memory_space<hbm>>) target(%arg5 : memref<128xi32, #tpu.memory_space<vmem>>) target_semaphore(%run_scoped3A : memref<!tpu.dma_semaphore, #tpu.memory_space<semaphore_mem>>)
        %dma_wait3A_18 = tpu.memref_slice %arg3[%add3A_11] : memref<65536xi32, #tpu.memory_space<hbm>> -> memref<128xi32, #tpu.memory_space<hbm>>
        %dma_wait3A_19 = tpu.memref_slice %arg3[%add3A_11] : memref<65536xi32, #tpu.memory_space<hbm>> -> memref<128xi32, #tpu.memory_space<hbm>>
        tpu.wait_dma2 semaphore(%run_scoped3A : memref<!tpu.dma_semaphore, #tpu.memory_space<semaphore_mem>>) src(%dma_wait3A_19 : memref<128xi32, #tpu.memory_space<hbm>>) dst(%arg5 : memref<128xi32, #tpu.memory_space<vmem>>)
        tpu.yield
      }) : () -> ()
      %dma_start3A = arith.constant 0 : i32
      %dma_start3A_12 = arith.constant 0 : i32
      %dma_start3A_13 = tpu.memref_slice %arg2[%dma_start3A, %dma_start3A_12] : memref<4096x256xf32, #tpu.memory_space<hbm>> -> memref<4096x256xf32, #tpu.memory_space<hbm>>
      tpu.enqueue_indirect_dma source(%dma_start3A_13 : memref<4096x256xf32, #tpu.memory_space<hbm>>) target(%arg6 : memref<128x256xf32, #tpu.memory_space<vmem>>) offsets(%arg5 : memref<128xi32, #tpu.memory_space<vmem>>) semaphore(%arg7 : memref<!tpu.dma_semaphore, #tpu.memory_space<semaphore_mem>>)
      %dma_wait3A = arith.constant 0 : i32
      %dma_wait3A_14 = arith.constant 0 : i32
      %dma_wait3A_15 = tpu.memref_slice %arg2[%dma_wait3A, %dma_wait3A_14] : memref<4096x256xf32, #tpu.memory_space<hbm>> -> memref<4096x256xf32, #tpu.memory_space<hbm>>
      tpu.wait_indirect_dma semaphore(%arg7 : memref<!tpu.dma_semaphore, #tpu.memory_space<semaphore_mem>>) src(%dma_wait3A_15 : memref<4096x256xf32, #tpu.memory_space<hbm>>) dst(%arg6 : memref<128x256xf32, #tpu.memory_space<vmem>>)
      "tpu.region"() ({
        %run_scoped3A = tpu.sem_alloc : memref<!tpu.dma_semaphore, #tpu.memory_space<semaphore_mem>>
        %dma_start3A_16 = arith.constant 0 : i32
        %dma_start3A_17 = tpu.memref_slice %arg4[%add3A_11, %dma_start3A_16] : memref<65536x256xf32, #tpu.memory_space<hbm>> -> memref<128x256xf32, #tpu.memory_space<hbm>>
        %dma_start3A_18 = arith.constant 0 : i32
        %dma_start3A_19 = tpu.memref_slice %arg4[%add3A_11, %dma_start3A_18] : memref<65536x256xf32, #tpu.memory_space<hbm>> -> memref<128x256xf32, #tpu.memory_space<hbm>>
        tpu.enqueue_dma source(%arg6 : memref<128x256xf32, #tpu.memory_space<vmem>>) target(%dma_start3A_19 : memref<128x256xf32, #tpu.memory_space<hbm>>) target_semaphore(%run_scoped3A : memref<!tpu.dma_semaphore, #tpu.memory_space<semaphore_mem>>)
        %dma_wait3A_20 = arith.constant 0 : i32
        %dma_wait3A_21 = tpu.memref_slice %arg4[%add3A_11, %dma_wait3A_20] : memref<65536x256xf32, #tpu.memory_space<hbm>> -> memref<128x256xf32, #tpu.memory_space<hbm>>
        %dma_wait3A_22 = arith.constant 0 : i32
        %dma_wait3A_23 = tpu.memref_slice %arg4[%add3A_11, %dma_wait3A_22] : memref<65536x256xf32, #tpu.memory_space<hbm>> -> memref<128x256xf32, #tpu.memory_space<hbm>>
        tpu.wait_dma2 semaphore(%run_scoped3A : memref<!tpu.dma_semaphore, #tpu.memory_space<semaphore_mem>>) src(%arg6 : memref<128x256xf32, #tpu.memory_space<vmem>>) dst(%dma_wait3A_23 : memref<128x256xf32, #tpu.memory_space<hbm>>)
        tpu.yield
      }) : () -> ()
    }
    %scan3A_7 = arith.constant 16 : i32
    return
  }
}

module attributes {stable_mosaic.version = 14 : i64} {
  func.func @_knn_body(%arg0: i32, %arg1: memref<256x128xf32, #tpu.memory_space<vmem>>, %arg2: memref<256x8xf32, #tpu.memory_space<vmem>>, %arg3: memref<8x4096xf32, #tpu.memory_space<vmem>>, %arg4: memref<256x1xi32, #tpu.memory_space<vmem>>, %arg5: memref<8x4096xi32, #tpu.memory_space<vmem>>, %arg6: memref<128x512xf32, #tpu.memory_space<vmem>>, %arg7: memref<8x512xf32, #tpu.memory_space<vmem>>, %arg8: memref<256x16xi32, #tpu.memory_space<vmem>>, %arg9: memref<256x256xf32, #tpu.memory_space<vmem>>, %arg10: memref<256x256xf32, #tpu.memory_space<vmem>>) attributes {dimension_semantics = [#tpu.dimension_semantics<arbitrary>], iteration_bounds = array<i64: 16>, scalar_prefetch = 0 : i64, scratch_operands = 0 : i64, tpu.core_type = #tpu.core_type<tc>, window_params = [{transform_indices = @transform_0, window_bounds = array<i64: 256, 128>}, {transform_indices = @transform_1, window_bounds = array<i64: 256, 8>}, {pipeline_mode = #tpu.pipeline_mode<synchronous>, transform_indices = @transform_2, window_bounds = array<i64: 8, 4096>}, {transform_indices = @transform_3, window_bounds = array<i64: 256, 1>}, {pipeline_mode = #tpu.pipeline_mode<synchronous>, transform_indices = @transform_4, window_bounds = array<i64: 8, 4096>}, {pipeline_mode = #tpu.pipeline_mode<synchronous>, transform_indices = @transform_5, window_bounds = array<i64: 128, 512>}, {pipeline_mode = #tpu.pipeline_mode<synchronous>, transform_indices = @transform_6, window_bounds = array<i64: 8, 512>}, {transform_indices = @transform_7, window_bounds = array<i64: 256, 16>}, {transform_indices = @transform_8, window_bounds = array<i64: 256, 256>}, {transform_indices = @transform_9, window_bounds = array<i64: 256, 256>}]} {
    %get3A = arith.constant 0 : index
    %get3A_0 = arith.constant 0 : index
    %get3A_1 = vector.load %arg1[%get3A, %get3A_0] : memref<256x128xf32, #tpu.memory_space<vmem>>, vector<256x128xf32>
    %get3A_2 = arith.constant 0 : index
    %get3A_3 = arith.constant 0 : index
    %get3A_4 = vector.load %arg6[%get3A_2, %get3A_3] : memref<128x512xf32, #tpu.memory_space<vmem>>, vector<128x512xf32>
    %dot_general3A = arith.constant dense<0.000000e+00> : vector<256x512xf32>
    %dot_general3A_5 = tpu.matmul %get3A_1, %get3A_4, %dot_general3A {dimension_numbers = #tpu.dot_dimension_numbers<[1], [0], [0], [1], [0, 0, 1, 1], [], []>, transpose_lhs_hint = false} : vector<256x128xf32>, vector<128x512xf32>, vector<256x512xf32> -> vector<256x512xf32>
    %get3A_6 = arith.constant 0 : index
    %get3A_7 = arith.constant 0 : index
    %get3A_8 = vector.load %arg7[%get3A_6, %get3A_7] : memref<8x512xf32, #tpu.memory_space<vmem>>, vector<1x512xf32>
    %add3A = vector.broadcast %get3A_8 : vector<1x512xf32> to vector<256x512xf32>
    %add3A_9 = arith.addf %dot_general3A_5, %add3A : vector<256x512xf32>
    %slice3A = vector.extract_strided_slice %add3A_9 {offsets = [0, 0], sizes = [256, 256], strides = [1, 1]} : vector<256x512xf32> to vector<256x256xf32>
    %swap3A = arith.constant 0 : index
    %swap3A_10 = arith.constant 0 : index
    %swap3A_11 = vector.load %arg9[%swap3A, %swap3A_10] : memref<256x256xf32, #tpu.memory_space<vmem>>, vector<256x256xf32>
    tpu.vector_store %arg9[%swap3A, %swap3A_10], %slice3A {strides = array<i32>} : memref<256x256xf32, #tpu.memory_space<vmem>>, vector<256x256xf32>,
    %slice3A_12 = vector.extract_strided_slice %add3A_9 {offsets = [0, 256], sizes = [256, 256], strides = [1, 1]} : vector<256x512xf32> to vector<256x256xf32>
    %swap3A_13 = arith.constant 0 : index
    %swap3A_14 = arith.constant 0 : index
    %swap3A_15 = vector.load %arg10[%swap3A_13, %swap3A_14] : memref<256x256xf32, #tpu.memory_space<vmem>>, vector<256x256xf32>
    tpu.vector_store %arg10[%swap3A_13, %swap3A_14], %slice3A_12 {strides = array<i32>} : memref<256x256xf32, #tpu.memory_space<vmem>>, vector<256x256xf32>,
    %get3A_16 = arith.constant 0 : index
    %get3A_17 = arith.constant 0 : index
    %get3A_18 = vector.load %arg2[%get3A_16, %get3A_17] : memref<256x8xf32, #tpu.memory_space<vmem>>, vector<256x8xf32>
    %get3A_19 = arith.constant 0 : index
    %get3A_20 = arith.constant 0 : index
    %get3A_21 = vector.load %arg3[%get3A_19, %get3A_20] : memref<8x4096xf32, #tpu.memory_space<vmem>>, vector<8x4096xf32>
    %mul3A = arith.mulf %get3A_18, %get3A_18 : vector<256x8xf32>
    %reduce_sum3A = arith.constant dense<0.000000e+00> : vector<256xf32>
    %reduce_sum3A_22 = vector.multi_reduction <add>, %mul3A, %reduce_sum3A [1] : vector<256x8xf32> to vector<256xf32>
    %broadcast_in_dim3A = vector.shape_cast %reduce_sum3A_22 : vector<256xf32> to vector<256x1xf32>
    %mul3A_23 = arith.mulf %get3A_21, %get3A_21 : vector<8x4096xf32>
    %reduce_sum3A_24 = arith.constant dense<0.000000e+00> : vector<4096xf32>
    %reduce_sum3A_25 = vector.multi_reduction <add>, %mul3A_23, %reduce_sum3A_24 [0] : vector<8x4096xf32> to vector<4096xf32>
    %broadcast_in_dim3A_26 = vector.shape_cast %reduce_sum3A_25 : vector<4096xf32> to vector<1x4096xf32>
    %add3A_27 = vector.broadcast %broadcast_in_dim3A : vector<256x1xf32> to vector<256x4096xf32>
    %add3A_28 = vector.broadcast %broadcast_in_dim3A_26 : vector<1x4096xf32> to vector<256x4096xf32>
    %add3A_29 = arith.addf %add3A_27, %add3A_28 : vector<256x4096xf32>
    %dot_general3A_30 = arith.constant dense<0.000000e+00> : vector<256x4096xf32>
    %dot_general3A_31 = tpu.matmul %get3A_18, %get3A_21, %dot_general3A_30 {dimension_numbers = #tpu.dot_dimension_numbers<[1], [0], [0], [1], [0, 0, 1, 1], [], []>, transpose_lhs_hint = false} : vector<256x8xf32>, vector<8x4096xf32>, vector<256x4096xf32> -> vector<256x4096xf32>
    %mul3A_32 = arith.constant 2.000000e+00 : f32
    %mul3A_33 = vector.broadcast %mul3A_32 : f32 to vector<256x4096xf32>
    %mul3A_34 = arith.mulf %mul3A_33, %dot_general3A_31 : vector<256x4096xf32>
    %sub3A = arith.subf %add3A_29, %mul3A_34 : vector<256x4096xf32>
    %iota3A = tpu.iota {dimensions = array<i32: 1>} : vector<256x4096xi32>
    %mul3A_35 = arith.constant 256 : i32
    %mul3A_36 = arith.muli %arg0, %mul3A_35 : i32
    %iota3A_37 = tpu.iota {dimensions = array<i32: 0>} : vector<256x4096xi32>
    %add3A_38 = vector.broadcast %mul3A_36 : i32 to vector<256x4096xi32>
    %add3A_39 = arith.addi %add3A_38, %iota3A_37 : vector<256x4096xi32>
    %get3A_40 = arith.constant 0 : index
    %get3A_41 = arith.constant 0 : index
    %get3A_42 = vector.load %arg4[%get3A_40, %get3A_41] : memref<256x1xi32, #tpu.memory_space<vmem>>, vector<256x1xi32>
    %get3A_43 = arith.constant 0 : index
    %get3A_44 = arith.constant 0 : index
    %get3A_45 = vector.load %arg5[%get3A_43, %get3A_44] : memref<8x4096xi32, #tpu.memory_space<vmem>>, vector<1x4096xi32>
    %ne3A = vector.broadcast %get3A_42 : vector<256x1xi32> to vector<256x4096xi32>
    %ne3A_46 = vector.broadcast %get3A_45 : vector<1x4096xi32> to vector<256x4096xi32>
    %ne3A_47 = arith.cmpi ne, %ne3A, %ne3A_46 : vector<256x4096xi32>
    %eq3A = arith.cmpi eq, %iota3A, %add3A_39 : vector<256x4096xi32>
    %or3A = arith.ori %ne3A_47, %eq3A : vector<256x4096xi1>
    %jit3A = arith.constant 1.000000e+30 : f32
    %broadcast_in_dim3A_48 = vector.broadcast %jit3A : f32 to vector<256x4096xf32>
    %select_n3A = arith.select %or3A, %broadcast_in_dim3A_48, %sub3A : vector<256x4096xi1>, vector<256x4096xf32>
    %reduce_min3A = arith.constant dense<0x7F800000> : vector<256xf32>
    %reduce_min3A_49 = vector.multi_reduction <minimumf>, %select_n3A, %reduce_min3A [1] : vector<256x4096xf32> to vector<256xf32>
    %broadcast_in_dim3A_50 = vector.shape_cast %reduce_min3A_49 : vector<256xf32> to vector<256x1xf32>
    %eq3A_51 = vector.broadcast %broadcast_in_dim3A_50 : vector<256x1xf32> to vector<256x4096xf32>
    %eq3A_52 = arith.cmpf oeq, %select_n3A, %eq3A_51 : vector<256x4096xf32>
    %jit3A_53 = arith.constant 4096 : i32
    %broadcast_in_dim3A_54 = vector.broadcast %jit3A_53 : i32 to vector<256x4096xi32>
    %select_n3A_55 = arith.select %eq3A_52, %iota3A, %broadcast_in_dim3A_54 : vector<256x4096xi1>, vector<256x4096xi32>
    %reduce_min3A_56 = arith.constant dense<2147483647> : vector<256xi32>
    %reduce_min3A_57 = vector.multi_reduction <minsi>, %select_n3A_55, %reduce_min3A_56 [1] : vector<256x4096xi32> to vector<256xi32>
    %broadcast_in_dim3A_58 = vector.shape_cast %reduce_min3A_57 : vector<256xi32> to vector<256x1xi32>
    %eq3A_59 = vector.broadcast %broadcast_in_dim3A_58 : vector<256x1xi32> to vector<256x4096xi32>
    %eq3A_60 = arith.cmpi eq, %iota3A, %eq3A_59 : vector<256x4096xi32>
    %jit3A_61 = arith.constant 0x7F800000 : f32
    %broadcast_in_dim3A_62 = vector.broadcast %jit3A_61 : f32 to vector<256x4096xf32>
    %select_n3A_63 = arith.select %eq3A_60, %broadcast_in_dim3A_62, %select_n3A : vector<256x4096xi1>, vector<256x4096xf32>
    %reduce_min3A_64 = arith.constant dense<0x7F800000> : vector<256xf32>
    %reduce_min3A_65 = vector.multi_reduction <minimumf>, %select_n3A_63, %reduce_min3A_64 [1] : vector<256x4096xf32> to vector<256xf32>
    %broadcast_in_dim3A_66 = vector.shape_cast %reduce_min3A_65 : vector<256xf32> to vector<256x1xf32>
    %eq3A_67 = vector.broadcast %broadcast_in_dim3A_66 : vector<256x1xf32> to vector<256x4096xf32>
    %eq3A_68 = arith.cmpf oeq, %select_n3A_63, %eq3A_67 : vector<256x4096xf32>
    %jit3A_69 = arith.constant 4096 : i32
    %broadcast_in_dim3A_70 = vector.broadcast %jit3A_69 : i32 to vector<256x4096xi32>
    %select_n3A_71 = arith.select %eq3A_68, %iota3A, %broadcast_in_dim3A_70 : vector<256x4096xi1>, vector<256x4096xi32>
    %reduce_min3A_72 = arith.constant dense<2147483647> : vector<256xi32>
    %reduce_min3A_73 = vector.multi_reduction <minsi>, %select_n3A_71, %reduce_min3A_72 [1] : vector<256x4096xi32> to vector<256xi32>
    %broadcast_in_dim3A_74 = vector.shape_cast %reduce_min3A_73 : vector<256xi32> to vector<256x1xi32>
    %eq3A_75 = vector.broadcast %broadcast_in_dim3A_74 : vector<256x1xi32> to vector<256x4096xi32>
    %eq3A_76 = arith.cmpi eq, %iota3A, %eq3A_75 : vector<256x4096xi32>
    %jit3A_77 = arith.constant 0x7F800000 : f32
    %broadcast_in_dim3A_78 = vector.broadcast %jit3A_77 : f32 to vector<256x4096xf32>
    %select_n3A_79 = arith.select %eq3A_76, %broadcast_in_dim3A_78, %select_n3A_63 : vector<256x4096xi1>, vector<256x4096xf32>
    %reduce_min3A_80 = arith.constant dense<0x7F800000> : vector<256xf32>
    %reduce_min3A_81 = vector.multi_reduction <minimumf>, %select_n3A_79, %reduce_min3A_80 [1] : vector<256x4096xf32> to vector<256xf32>
    %broadcast_in_dim3A_82 = vector.shape_cast %reduce_min3A_81 : vector<256xf32> to vector<256x1xf32>
    %eq3A_83 = vector.broadcast %broadcast_in_dim3A_82 : vector<256x1xf32> to vector<256x4096xf32>
    %eq3A_84 = arith.cmpf oeq, %select_n3A_79, %eq3A_83 : vector<256x4096xf32>
    %jit3A_85 = arith.constant 4096 : i32
    %broadcast_in_dim3A_86 = vector.broadcast %jit3A_85 : i32 to vector<256x4096xi32>
    %select_n3A_87 = arith.select %eq3A_84, %iota3A, %broadcast_in_dim3A_86 : vector<256x4096xi1>, vector<256x4096xi32>
    %reduce_min3A_88 = arith.constant dense<2147483647> : vector<256xi32>
    %reduce_min3A_89 = vector.multi_reduction <minsi>, %select_n3A_87, %reduce_min3A_88 [1] : vector<256x4096xi32> to vector<256xi32>
    %broadcast_in_dim3A_90 = vector.shape_cast %reduce_min3A_89 : vector<256xi32> to vector<256x1xi32>
    %eq3A_91 = vector.broadcast %broadcast_in_dim3A_90 : vector<256x1xi32> to vector<256x4096xi32>
    %eq3A_92 = arith.cmpi eq, %iota3A, %eq3A_91 : vector<256x4096xi32>
    %jit3A_93 = arith.constant 0x7F800000 : f32
    %broadcast_in_dim3A_94 = vector.broadcast %jit3A_93 : f32 to vector<256x4096xf32>
    %select_n3A_95 = arith.select %eq3A_92, %broadcast_in_dim3A_94, %select_n3A_79 : vector<256x4096xi1>, vector<256x4096xf32>
    %reduce_min3A_96 = arith.constant dense<0x7F800000> : vector<256xf32>
    %reduce_min3A_97 = vector.multi_reduction <minimumf>, %select_n3A_95, %reduce_min3A_96 [1] : vector<256x4096xf32> to vector<256xf32>
    %broadcast_in_dim3A_98 = vector.shape_cast %reduce_min3A_97 : vector<256xf32> to vector<256x1xf32>
    %eq3A_99 = vector.broadcast %broadcast_in_dim3A_98 : vector<256x1xf32> to vector<256x4096xf32>
    %eq3A_100 = arith.cmpf oeq, %select_n3A_95, %eq3A_99 : vector<256x4096xf32>
    %jit3A_101 = arith.constant 4096 : i32
    %broadcast_in_dim3A_102 = vector.broadcast %jit3A_101 : i32 to vector<256x4096xi32>
    %select_n3A_103 = arith.select %eq3A_100, %iota3A, %broadcast_in_dim3A_102 : vector<256x4096xi1>, vector<256x4096xi32>
    %reduce_min3A_104 = arith.constant dense<2147483647> : vector<256xi32>
    %reduce_min3A_105 = vector.multi_reduction <minsi>, %select_n3A_103, %reduce_min3A_104 [1] : vector<256x4096xi32> to vector<256xi32>
    %broadcast_in_dim3A_106 = vector.shape_cast %reduce_min3A_105 : vector<256xi32> to vector<256x1xi32>
    %eq3A_107 = vector.broadcast %broadcast_in_dim3A_106 : vector<256x1xi32> to vector<256x4096xi32>
    %eq3A_108 = arith.cmpi eq, %iota3A, %eq3A_107 : vector<256x4096xi32>
    %jit3A_109 = arith.constant 0x7F800000 : f32
    %broadcast_in_dim3A_110 = vector.broadcast %jit3A_109 : f32 to vector<256x4096xf32>
    %select_n3A_111 = arith.select %eq3A_108, %broadcast_in_dim3A_110, %select_n3A_95 : vector<256x4096xi1>, vector<256x4096xf32>
    %reduce_min3A_112 = arith.constant dense<0x7F800000> : vector<256xf32>
    %reduce_min3A_113 = vector.multi_reduction <minimumf>, %select_n3A_111, %reduce_min3A_112 [1] : vector<256x4096xf32> to vector<256xf32>
    %broadcast_in_dim3A_114 = vector.shape_cast %reduce_min3A_113 : vector<256xf32> to vector<256x1xf32>
    %eq3A_115 = vector.broadcast %broadcast_in_dim3A_114 : vector<256x1xf32> to vector<256x4096xf32>
    %eq3A_116 = arith.cmpf oeq, %select_n3A_111, %eq3A_115 : vector<256x4096xf32>
    %jit3A_117 = arith.constant 4096 : i32
    %broadcast_in_dim3A_118 = vector.broadcast %jit3A_117 : i32 to vector<256x4096xi32>
    %select_n3A_119 = arith.select %eq3A_116, %iota3A, %broadcast_in_dim3A_118 : vector<256x4096xi1>, vector<256x4096xi32>
    %reduce_min3A_120 = arith.constant dense<2147483647> : vector<256xi32>
    %reduce_min3A_121 = vector.multi_reduction <minsi>, %select_n3A_119, %reduce_min3A_120 [1] : vector<256x4096xi32> to vector<256xi32>
    %broadcast_in_dim3A_122 = vector.shape_cast %reduce_min3A_121 : vector<256xi32> to vector<256x1xi32>
    %eq3A_123 = vector.broadcast %broadcast_in_dim3A_122 : vector<256x1xi32> to vector<256x4096xi32>
    %eq3A_124 = arith.cmpi eq, %iota3A, %eq3A_123 : vector<256x4096xi32>
    %jit3A_125 = arith.constant 0x7F800000 : f32
    %broadcast_in_dim3A_126 = vector.broadcast %jit3A_125 : f32 to vector<256x4096xf32>
    %select_n3A_127 = arith.select %eq3A_124, %broadcast_in_dim3A_126, %select_n3A_111 : vector<256x4096xi1>, vector<256x4096xf32>
    %reduce_min3A_128 = arith.constant dense<0x7F800000> : vector<256xf32>
    %reduce_min3A_129 = vector.multi_reduction <minimumf>, %select_n3A_127, %reduce_min3A_128 [1] : vector<256x4096xf32> to vector<256xf32>
    %broadcast_in_dim3A_130 = vector.shape_cast %reduce_min3A_129 : vector<256xf32> to vector<256x1xf32>
    %eq3A_131 = vector.broadcast %broadcast_in_dim3A_130 : vector<256x1xf32> to vector<256x4096xf32>
    %eq3A_132 = arith.cmpf oeq, %select_n3A_127, %eq3A_131 : vector<256x4096xf32>
    %jit3A_133 = arith.constant 4096 : i32
    %broadcast_in_dim3A_134 = vector.broadcast %jit3A_133 : i32 to vector<256x4096xi32>
    %select_n3A_135 = arith.select %eq3A_132, %iota3A, %broadcast_in_dim3A_134 : vector<256x4096xi1>, vector<256x4096xi32>
    %reduce_min3A_136 = arith.constant dense<2147483647> : vector<256xi32>
    %reduce_min3A_137 = vector.multi_reduction <minsi>, %select_n3A_135, %reduce_min3A_136 [1] : vector<256x4096xi32> to vector<256xi32>
    %broadcast_in_dim3A_138 = vector.shape_cast %reduce_min3A_137 : vector<256xi32> to vector<256x1xi32>
    %eq3A_139 = vector.broadcast %broadcast_in_dim3A_138 : vector<256x1xi32> to vector<256x4096xi32>
    %eq3A_140 = arith.cmpi eq, %iota3A, %eq3A_139 : vector<256x4096xi32>
    %jit3A_141 = arith.constant 0x7F800000 : f32
    %broadcast_in_dim3A_142 = vector.broadcast %jit3A_141 : f32 to vector<256x4096xf32>
    %select_n3A_143 = arith.select %eq3A_140, %broadcast_in_dim3A_142, %select_n3A_127 : vector<256x4096xi1>, vector<256x4096xf32>
    %reduce_min3A_144 = arith.constant dense<0x7F800000> : vector<256xf32>
    %reduce_min3A_145 = vector.multi_reduction <minimumf>, %select_n3A_143, %reduce_min3A_144 [1] : vector<256x4096xf32> to vector<256xf32>
    %broadcast_in_dim3A_146 = vector.shape_cast %reduce_min3A_145 : vector<256xf32> to vector<256x1xf32>
    %eq3A_147 = vector.broadcast %broadcast_in_dim3A_146 : vector<256x1xf32> to vector<256x4096xf32>
    %eq3A_148 = arith.cmpf oeq, %select_n3A_143, %eq3A_147 : vector<256x4096xf32>
    %jit3A_149 = arith.constant 4096 : i32
    %broadcast_in_dim3A_150 = vector.broadcast %jit3A_149 : i32 to vector<256x4096xi32>
    %select_n3A_151 = arith.select %eq3A_148, %iota3A, %broadcast_in_dim3A_150 : vector<256x4096xi1>, vector<256x4096xi32>
    %reduce_min3A_152 = arith.constant dense<2147483647> : vector<256xi32>
    %reduce_min3A_153 = vector.multi_reduction <minsi>, %select_n3A_151, %reduce_min3A_152 [1] : vector<256x4096xi32> to vector<256xi32>
    %broadcast_in_dim3A_154 = vector.shape_cast %reduce_min3A_153 : vector<256xi32> to vector<256x1xi32>
    %eq3A_155 = vector.broadcast %broadcast_in_dim3A_154 : vector<256x1xi32> to vector<256x4096xi32>
    %eq3A_156 = arith.cmpi eq, %iota3A, %eq3A_155 : vector<256x4096xi32>
    %jit3A_157 = arith.constant 0x7F800000 : f32
    %broadcast_in_dim3A_158 = vector.broadcast %jit3A_157 : f32 to vector<256x4096xf32>
    %select_n3A_159 = arith.select %eq3A_156, %broadcast_in_dim3A_158, %select_n3A_143 : vector<256x4096xi1>, vector<256x4096xf32>
    %reduce_min3A_160 = arith.constant dense<0x7F800000> : vector<256xf32>
    %reduce_min3A_161 = vector.multi_reduction <minimumf>, %select_n3A_159, %reduce_min3A_160 [1] : vector<256x4096xf32> to vector<256xf32>
    %broadcast_in_dim3A_162 = vector.shape_cast %reduce_min3A_161 : vector<256xf32> to vector<256x1xf32>
    %eq3A_163 = vector.broadcast %broadcast_in_dim3A_162 : vector<256x1xf32> to vector<256x4096xf32>
    %eq3A_164 = arith.cmpf oeq, %select_n3A_159, %eq3A_163 : vector<256x4096xf32>
    %jit3A_165 = arith.constant 4096 : i32
    %broadcast_in_dim3A_166 = vector.broadcast %jit3A_165 : i32 to vector<256x4096xi32>
    %select_n3A_167 = arith.select %eq3A_164, %iota3A, %broadcast_in_dim3A_166 : vector<256x4096xi1>, vector<256x4096xi32>
    %reduce_min3A_168 = arith.constant dense<2147483647> : vector<256xi32>
    %reduce_min3A_169 = vector.multi_reduction <minsi>, %select_n3A_167, %reduce_min3A_168 [1] : vector<256x4096xi32> to vector<256xi32>
    %broadcast_in_dim3A_170 = vector.shape_cast %reduce_min3A_169 : vector<256xi32> to vector<256x1xi32>
    %eq3A_171 = vector.broadcast %broadcast_in_dim3A_170 : vector<256x1xi32> to vector<256x4096xi32>
    %eq3A_172 = arith.cmpi eq, %iota3A, %eq3A_171 : vector<256x4096xi32>
    %jit3A_173 = arith.constant 0x7F800000 : f32
    %broadcast_in_dim3A_174 = vector.broadcast %jit3A_173 : f32 to vector<256x4096xf32>
    %select_n3A_175 = arith.select %eq3A_172, %broadcast_in_dim3A_174, %select_n3A_159 : vector<256x4096xi1>, vector<256x4096xf32>
    %reduce_min3A_176 = arith.constant dense<0x7F800000> : vector<256xf32>
    %reduce_min3A_177 = vector.multi_reduction <minimumf>, %select_n3A_175, %reduce_min3A_176 [1] : vector<256x4096xf32> to vector<256xf32>
    %broadcast_in_dim3A_178 = vector.shape_cast %reduce_min3A_177 : vector<256xf32> to vector<256x1xf32>
    %eq3A_179 = vector.broadcast %broadcast_in_dim3A_178 : vector<256x1xf32> to vector<256x4096xf32>
    %eq3A_180 = arith.cmpf oeq, %select_n3A_175, %eq3A_179 : vector<256x4096xf32>
    %jit3A_181 = arith.constant 4096 : i32
    %broadcast_in_dim3A_182 = vector.broadcast %jit3A_181 : i32 to vector<256x4096xi32>
    %select_n3A_183 = arith.select %eq3A_180, %iota3A, %broadcast_in_dim3A_182 : vector<256x4096xi1>, vector<256x4096xi32>
    %reduce_min3A_184 = arith.constant dense<2147483647> : vector<256xi32>
    %reduce_min3A_185 = vector.multi_reduction <minsi>, %select_n3A_183, %reduce_min3A_184 [1] : vector<256x4096xi32> to vector<256xi32>
    %broadcast_in_dim3A_186 = vector.shape_cast %reduce_min3A_185 : vector<256xi32> to vector<256x1xi32>
    %eq3A_187 = vector.broadcast %broadcast_in_dim3A_186 : vector<256x1xi32> to vector<256x4096xi32>
    %eq3A_188 = arith.cmpi eq, %iota3A, %eq3A_187 : vector<256x4096xi32>
    %jit3A_189 = arith.constant 0x7F800000 : f32
    %broadcast_in_dim3A_190 = vector.broadcast %jit3A_189 : f32 to vector<256x4096xf32>
    %select_n3A_191 = arith.select %eq3A_188, %broadcast_in_dim3A_190, %select_n3A_175 : vector<256x4096xi1>, vector<256x4096xf32>
    %reduce_min3A_192 = arith.constant dense<0x7F800000> : vector<256xf32>
    %reduce_min3A_193 = vector.multi_reduction <minimumf>, %select_n3A_191, %reduce_min3A_192 [1] : vector<256x4096xf32> to vector<256xf32>
    %broadcast_in_dim3A_194 = vector.shape_cast %reduce_min3A_193 : vector<256xf32> to vector<256x1xf32>
    %eq3A_195 = vector.broadcast %broadcast_in_dim3A_194 : vector<256x1xf32> to vector<256x4096xf32>
    %eq3A_196 = arith.cmpf oeq, %select_n3A_191, %eq3A_195 : vector<256x4096xf32>
    %jit3A_197 = arith.constant 4096 : i32
    %broadcast_in_dim3A_198 = vector.broadcast %jit3A_197 : i32 to vector<256x4096xi32>
    %select_n3A_199 = arith.select %eq3A_196, %iota3A, %broadcast_in_dim3A_198 : vector<256x4096xi1>, vector<256x4096xi32>
    %reduce_min3A_200 = arith.constant dense<2147483647> : vector<256xi32>
    %reduce_min3A_201 = vector.multi_reduction <minsi>, %select_n3A_199, %reduce_min3A_200 [1] : vector<256x4096xi32> to vector<256xi32>
    %broadcast_in_dim3A_202 = vector.shape_cast %reduce_min3A_201 : vector<256xi32> to vector<256x1xi32>
    %eq3A_203 = vector.broadcast %broadcast_in_dim3A_202 : vector<256x1xi32> to vector<256x4096xi32>
    %eq3A_204 = arith.cmpi eq, %iota3A, %eq3A_203 : vector<256x4096xi32>
    %jit3A_205 = arith.constant 0x7F800000 : f32
    %broadcast_in_dim3A_206 = vector.broadcast %jit3A_205 : f32 to vector<256x4096xf32>
    %select_n3A_207 = arith.select %eq3A_204, %broadcast_in_dim3A_206, %select_n3A_191 : vector<256x4096xi1>, vector<256x4096xf32>
    %reduce_min3A_208 = arith.constant dense<0x7F800000> : vector<256xf32>
    %reduce_min3A_209 = vector.multi_reduction <minimumf>, %select_n3A_207, %reduce_min3A_208 [1] : vector<256x4096xf32> to vector<256xf32>
    %broadcast_in_dim3A_210 = vector.shape_cast %reduce_min3A_209 : vector<256xf32> to vector<256x1xf32>
    %eq3A_211 = vector.broadcast %broadcast_in_dim3A_210 : vector<256x1xf32> to vector<256x4096xf32>
    %eq3A_212 = arith.cmpf oeq, %select_n3A_207, %eq3A_211 : vector<256x4096xf32>
    %jit3A_213 = arith.constant 4096 : i32
    %broadcast_in_dim3A_214 = vector.broadcast %jit3A_213 : i32 to vector<256x4096xi32>
    %select_n3A_215 = arith.select %eq3A_212, %iota3A, %broadcast_in_dim3A_214 : vector<256x4096xi1>, vector<256x4096xi32>
    %reduce_min3A_216 = arith.constant dense<2147483647> : vector<256xi32>
    %reduce_min3A_217 = vector.multi_reduction <minsi>, %select_n3A_215, %reduce_min3A_216 [1] : vector<256x4096xi32> to vector<256xi32>
    %broadcast_in_dim3A_218 = vector.shape_cast %reduce_min3A_217 : vector<256xi32> to vector<256x1xi32>
    %eq3A_219 = vector.broadcast %broadcast_in_dim3A_218 : vector<256x1xi32> to vector<256x4096xi32>
    %eq3A_220 = arith.cmpi eq, %iota3A, %eq3A_219 : vector<256x4096xi32>
    %jit3A_221 = arith.constant 0x7F800000 : f32
    %broadcast_in_dim3A_222 = vector.broadcast %jit3A_221 : f32 to vector<256x4096xf32>
    %select_n3A_223 = arith.select %eq3A_220, %broadcast_in_dim3A_222, %select_n3A_207 : vector<256x4096xi1>, vector<256x4096xf32>
    %reduce_min3A_224 = arith.constant dense<0x7F800000> : vector<256xf32>
    %reduce_min3A_225 = vector.multi_reduction <minimumf>, %select_n3A_223, %reduce_min3A_224 [1] : vector<256x4096xf32> to vector<256xf32>
    %broadcast_in_dim3A_226 = vector.shape_cast %reduce_min3A_225 : vector<256xf32> to vector<256x1xf32>
    %eq3A_227 = vector.broadcast %broadcast_in_dim3A_226 : vector<256x1xf32> to vector<256x4096xf32>
    %eq3A_228 = arith.cmpf oeq, %select_n3A_223, %eq3A_227 : vector<256x4096xf32>
    %jit3A_229 = arith.constant 4096 : i32
    %broadcast_in_dim3A_230 = vector.broadcast %jit3A_229 : i32 to vector<256x4096xi32>
    %select_n3A_231 = arith.select %eq3A_228, %iota3A, %broadcast_in_dim3A_230 : vector<256x4096xi1>, vector<256x4096xi32>
    %reduce_min3A_232 = arith.constant dense<2147483647> : vector<256xi32>
    %reduce_min3A_233 = vector.multi_reduction <minsi>, %select_n3A_231, %reduce_min3A_232 [1] : vector<256x4096xi32> to vector<256xi32>
    %broadcast_in_dim3A_234 = vector.shape_cast %reduce_min3A_233 : vector<256xi32> to vector<256x1xi32>
    %eq3A_235 = vector.broadcast %broadcast_in_dim3A_234 : vector<256x1xi32> to vector<256x4096xi32>
    %eq3A_236 = arith.cmpi eq, %iota3A, %eq3A_235 : vector<256x4096xi32>
    %jit3A_237 = arith.constant 0x7F800000 : f32
    %broadcast_in_dim3A_238 = vector.broadcast %jit3A_237 : f32 to vector<256x4096xf32>
    %select_n3A_239 = arith.select %eq3A_236, %broadcast_in_dim3A_238, %select_n3A_223 : vector<256x4096xi1>, vector<256x4096xf32>
    %reduce_min3A_240 = arith.constant dense<0x7F800000> : vector<256xf32>
    %reduce_min3A_241 = vector.multi_reduction <minimumf>, %select_n3A_239, %reduce_min3A_240 [1] : vector<256x4096xf32> to vector<256xf32>
    %broadcast_in_dim3A_242 = vector.shape_cast %reduce_min3A_241 : vector<256xf32> to vector<256x1xf32>
    %eq3A_243 = vector.broadcast %broadcast_in_dim3A_242 : vector<256x1xf32> to vector<256x4096xf32>
    %eq3A_244 = arith.cmpf oeq, %select_n3A_239, %eq3A_243 : vector<256x4096xf32>
    %jit3A_245 = arith.constant 4096 : i32
    %broadcast_in_dim3A_246 = vector.broadcast %jit3A_245 : i32 to vector<256x4096xi32>
    %select_n3A_247 = arith.select %eq3A_244, %iota3A, %broadcast_in_dim3A_246 : vector<256x4096xi1>, vector<256x4096xi32>
    %reduce_min3A_248 = arith.constant dense<2147483647> : vector<256xi32>
    %reduce_min3A_249 = vector.multi_reduction <minsi>, %select_n3A_247, %reduce_min3A_248 [1] : vector<256x4096xi32> to vector<256xi32>
    %broadcast_in_dim3A_250 = vector.shape_cast %reduce_min3A_249 : vector<256xi32> to vector<256x1xi32>
    %eq3A_251 = vector.broadcast %broadcast_in_dim3A_250 : vector<256x1xi32> to vector<256x4096xi32>
    %eq3A_252 = arith.cmpi eq, %iota3A, %eq3A_251 : vector<256x4096xi32>
    %jit3A_253 = arith.constant 0x7F800000 : f32
    %broadcast_in_dim3A_254 = vector.broadcast %jit3A_253 : f32 to vector<256x4096xf32>
    %select_n3A_255 = arith.select %eq3A_252, %broadcast_in_dim3A_254, %select_n3A_239 : vector<256x4096xi1>, vector<256x4096xf32>
    %reduce_min3A_256 = arith.constant dense<0x7F800000> : vector<256xf32>
    %reduce_min3A_257 = vector.multi_reduction <minimumf>, %select_n3A_255, %reduce_min3A_256 [1] : vector<256x4096xf32> to vector<256xf32>
    %broadcast_in_dim3A_258 = vector.shape_cast %reduce_min3A_257 : vector<256xf32> to vector<256x1xf32>
    %eq3A_259 = vector.broadcast %broadcast_in_dim3A_258 : vector<256x1xf32> to vector<256x4096xf32>
    %eq3A_260 = arith.cmpf oeq, %select_n3A_255, %eq3A_259 : vector<256x4096xf32>
    %jit3A_261 = arith.constant 4096 : i32
    %broadcast_in_dim3A_262 = vector.broadcast %jit3A_261 : i32 to vector<256x4096xi32>
    %select_n3A_263 = arith.select %eq3A_260, %iota3A, %broadcast_in_dim3A_262 : vector<256x4096xi1>, vector<256x4096xi32>
    %reduce_min3A_264 = arith.constant dense<2147483647> : vector<256xi32>
    %reduce_min3A_265 = vector.multi_reduction <minsi>, %select_n3A_263, %reduce_min3A_264 [1] : vector<256x4096xi32> to vector<256xi32>
    %broadcast_in_dim3A_266 = vector.shape_cast %reduce_min3A_265 : vector<256xi32> to vector<256x1xi32>
    %eq3A_267 = vector.broadcast %broadcast_in_dim3A_266 : vector<256x1xi32> to vector<256x4096xi32>
    %eq3A_268 = arith.cmpi eq, %iota3A, %eq3A_267 : vector<256x4096xi32>
    %jit3A_269 = arith.constant 0x7F800000 : f32
    %broadcast_in_dim3A_270 = vector.broadcast %jit3A_269 : f32 to vector<256x4096xf32>
    %select_n3A_271 = arith.select %eq3A_268, %broadcast_in_dim3A_270, %select_n3A_255 : vector<256x4096xi1>, vector<256x4096xf32>
    %reduce_min3A_272 = arith.constant dense<0x7F800000> : vector<256xf32>
    %reduce_min3A_273 = vector.multi_reduction <minimumf>, %select_n3A_271, %reduce_min3A_272 [1] : vector<256x4096xf32> to vector<256xf32>
    %broadcast_in_dim3A_274 = vector.shape_cast %reduce_min3A_273 : vector<256xf32> to vector<256x1xf32>
    %eq3A_275 = vector.broadcast %broadcast_in_dim3A_274 : vector<256x1xf32> to vector<256x4096xf32>
    %eq3A_276 = arith.cmpf oeq, %select_n3A_271, %eq3A_275 : vector<256x4096xf32>
    %jit3A_277 = arith.constant 4096 : i32
    %broadcast_in_dim3A_278 = vector.broadcast %jit3A_277 : i32 to vector<256x4096xi32>
    %select_n3A_279 = arith.select %eq3A_276, %iota3A, %broadcast_in_dim3A_278 : vector<256x4096xi1>, vector<256x4096xi32>
    %reduce_min3A_280 = arith.constant dense<2147483647> : vector<256xi32>
    %reduce_min3A_281 = vector.multi_reduction <minsi>, %select_n3A_279, %reduce_min3A_280 [1] : vector<256x4096xi32> to vector<256xi32>
    %broadcast_in_dim3A_282 = vector.shape_cast %reduce_min3A_281 : vector<256xi32> to vector<256x1xi32>
    %eq3A_283 = vector.broadcast %broadcast_in_dim3A_282 : vector<256x1xi32> to vector<256x4096xi32>
    %eq3A_284 = arith.cmpi eq, %iota3A, %eq3A_283 : vector<256x4096xi32>
    %jit3A_285 = arith.constant 0x7F800000 : f32
    %broadcast_in_dim3A_286 = vector.broadcast %jit3A_285 : f32 to vector<256x4096xf32>
    %select_n3A_287 = arith.select %eq3A_284, %broadcast_in_dim3A_286, %select_n3A_271 : vector<256x4096xi1>, vector<256x4096xf32>
    %reduce_min3A_288 = arith.constant dense<0x7F800000> : vector<256xf32>
    %reduce_min3A_289 = vector.multi_reduction <minimumf>, %select_n3A_287, %reduce_min3A_288 [1] : vector<256x4096xf32> to vector<256xf32>
    %broadcast_in_dim3A_290 = vector.shape_cast %reduce_min3A_289 : vector<256xf32> to vector<256x1xf32>
    %eq3A_291 = vector.broadcast %broadcast_in_dim3A_290 : vector<256x1xf32> to vector<256x4096xf32>
    %eq3A_292 = arith.cmpf oeq, %select_n3A_287, %eq3A_291 : vector<256x4096xf32>
    %jit3A_293 = arith.constant 4096 : i32
    %broadcast_in_dim3A_294 = vector.broadcast %jit3A_293 : i32 to vector<256x4096xi32>
    %select_n3A_295 = arith.select %eq3A_292, %iota3A, %broadcast_in_dim3A_294 : vector<256x4096xi1>, vector<256x4096xi32>
    %reduce_min3A_296 = arith.constant dense<2147483647> : vector<256xi32>
    %reduce_min3A_297 = vector.multi_reduction <minsi>, %select_n3A_295, %reduce_min3A_296 [1] : vector<256x4096xi32> to vector<256xi32>
    %broadcast_in_dim3A_298 = vector.shape_cast %reduce_min3A_297 : vector<256xi32> to vector<256x1xi32>
    %concatenate3A = tpu.concatenate %broadcast_in_dim3A_58, %broadcast_in_dim3A_74, %broadcast_in_dim3A_90, %broadcast_in_dim3A_106, %broadcast_in_dim3A_122, %broadcast_in_dim3A_138, %broadcast_in_dim3A_154, %broadcast_in_dim3A_170, %broadcast_in_dim3A_186, %broadcast_in_dim3A_202, %broadcast_in_dim3A_218, %broadcast_in_dim3A_234, %broadcast_in_dim3A_250, %broadcast_in_dim3A_266, %broadcast_in_dim3A_282, %broadcast_in_dim3A_298 in 1 : vector<256x1xi32>, vector<256x1xi32>, vector<256x1xi32>, vector<256x1xi32>, vector<256x1xi32>, vector<256x1xi32>, vector<256x1xi32>, vector<256x1xi32>, vector<256x1xi32>, vector<256x1xi32>, vector<256x1xi32>, vector<256x1xi32>, vector<256x1xi32>, vector<256x1xi32>, vector<256x1xi32>, vector<256x1xi32> -> vector<256x16xi32>
    %swap3A_299 = arith.constant 0 : index
    %swap3A_300 = arith.constant 0 : index
    %swap3A_301 = vector.load %arg8[%swap3A_299, %swap3A_300] : memref<256x16xi32, #tpu.memory_space<vmem>>, vector<256x16xi32>
    tpu.vector_store %arg8[%swap3A_299, %swap3A_300], %concatenate3A {strides = array<i32>} : memref<256x16xi32, #tpu.memory_space<vmem>>, vector<256x16xi32>,
    return
  }
  func.func @transform_0(%arg0: i32) -> (i32, i32) {
    %c0_i32 = arith.constant 0 : i32
    %c0_i32_0 = arith.constant 0 : i32
    return %arg0, %c0_i32 : i32, i32
  }
  func.func @transform_1(%arg0: i32) -> (i32, i32) {
    %c0_i32 = arith.constant 0 : i32
    %c0_i32_0 = arith.constant 0 : i32
    return %arg0, %c0_i32 : i32, i32
  }
  func.func @transform_2(%arg0: i32) -> (i32, i32) {
    %c0_i32 = arith.constant 0 : i32
    %c0_i32_0 = arith.constant 0 : i32
    %c0_i32_1 = arith.constant 0 : i32
    return %c0_i32, %c0_i32_0 : i32, i32
  }
  func.func @transform_3(%arg0: i32) -> (i32, i32) {
    %c0_i32 = arith.constant 0 : i32
    %c0_i32_0 = arith.constant 0 : i32
    return %arg0, %c0_i32 : i32, i32
  }
  func.func @transform_4(%arg0: i32) -> (i32, i32) {
    %c0_i32 = arith.constant 0 : i32
    %c0_i32_0 = arith.constant 0 : i32
    %c0_i32_1 = arith.constant 0 : i32
    return %c0_i32, %c0_i32_0 : i32, i32
  }
  func.func @transform_5(%arg0: i32) -> (i32, i32) {
    %c0_i32 = arith.constant 0 : i32
    %c0_i32_0 = arith.constant 0 : i32
    %c0_i32_1 = arith.constant 0 : i32
    return %c0_i32, %c0_i32_0 : i32, i32
  }
  func.func @transform_6(%arg0: i32) -> (i32, i32) {
    %c0_i32 = arith.constant 0 : i32
    %c0_i32_0 = arith.constant 0 : i32
    %c0_i32_1 = arith.constant 0 : i32
    return %c0_i32, %c0_i32_0 : i32, i32
  }
  func.func @transform_7(%arg0: i32) -> (i32, i32) {
    %c0_i32 = arith.constant 0 : i32
    %c0_i32_0 = arith.constant 0 : i32
    return %arg0, %c0_i32 : i32, i32
  }
  func.func @transform_8(%arg0: i32) -> (i32, i32) {
    %c0_i32 = arith.constant 0 : i32
    %c0_i32_0 = arith.constant 0 : i32
    return %arg0, %c0_i32 : i32, i32
  }
  func.func @transform_9(%arg0: i32) -> (i32, i32) {
    %c0_i32 = arith.constant 0 : i32
    %c0_i32_0 = arith.constant 0 : i32
    return %arg0, %c0_i32 : i32, i32
  }
}

module attributes {stable_mosaic.version = 14 : i64} {
  func.func @_edge_body(%arg0: i32, %arg1: memref<256x256xf32, #tpu.memory_space<vmem>>, %arg2: memref<16x256x256xf32, #tpu.memory_space<vmem>>, %arg3: memref<256x128xf32, #tpu.memory_space<vmem>>, %arg4: memref<8x128xf32, #tpu.memory_space<vmem>>, %arg5: memref<256x384xf32, #tpu.memory_space<vmem>>) attributes {dimension_semantics = [#tpu.dimension_semantics<arbitrary>], iteration_bounds = array<i64: 16>, scalar_prefetch = 0 : i64, scratch_operands = 0 : i64, tpu.core_type = #tpu.core_type<tc>, window_params = [{transform_indices = @transform_0, window_bounds = array<i64: 256, 256>}, {transform_indices = @transform_1, window_bounds = array<i64: 16, 256, 256>}, {pipeline_mode = #tpu.pipeline_mode<synchronous>, transform_indices = @transform_2, window_bounds = array<i64: 256, 128>}, {pipeline_mode = #tpu.pipeline_mode<synchronous>, transform_indices = @transform_3, window_bounds = array<i64: 8, 128>}, {transform_indices = @transform_4, window_bounds = array<i64: 256, 384>}]} {
    %get3A = arith.constant 0 : index
    %get3A_0 = arith.constant 0 : index
    %get3A_1 = vector.load %arg1[%get3A, %get3A_0] : memref<256x256xf32, #tpu.memory_space<vmem>>, vector<256x256xf32>
    %get3A_2 = arith.constant 0 : index
    %get3A_3 = arith.constant 0 : index
    %get3A_4 = vector.load %arg3[%get3A_2, %get3A_3] : memref<256x128xf32, #tpu.memory_space<vmem>>, vector<256x128xf32>
    %get3A_5 = arith.constant 0 : index
    %get3A_6 = arith.constant 0 : index
    %get3A_7 = vector.load %arg4[%get3A_5, %get3A_6] : memref<8x128xf32, #tpu.memory_space<vmem>>, vector<1x128xf32>
    %get3A_8 = arith.constant 0 : index
    %get3A_9 = arith.constant 0 : index
    %get3A_10 = arith.constant 0 : index
    %get3A_11 = vector.load %arg2[%get3A_8, %get3A_9, %get3A_10] : memref<16x256x256xf32, #tpu.memory_space<vmem>>, vector<1x256x256xf32>
    %get3A_12 = vector.shape_cast %get3A_11 : vector<1x256x256xf32> to vector<256x256xf32>
    %add3A = arith.addf %get3A_12, %get3A_1 : vector<256x256xf32>
    %ge3A = arith.constant 0.000000e+00 : f32
    %ge3A_13 = vector.broadcast %ge3A : f32 to vector<256x256xf32>
    %ge3A_14 = arith.cmpf oge, %add3A, %ge3A_13 : vector<256x256xf32>
    %mul3A = arith.constant 0.00999999977 : f32
    %mul3A_15 = vector.broadcast %mul3A : f32 to vector<256x256xf32>
    %mul3A_16 = arith.mulf %mul3A_15, %add3A : vector<256x256xf32>
    %select_n3A = arith.select %ge3A_14, %add3A, %mul3A_16 : vector<256x256xi1>, vector<256x256xf32>
    %dot_general3A = arith.constant dense<0.000000e+00> : vector<256x128xf32>
    %dot_general3A_17 = tpu.matmul %select_n3A, %get3A_4, %dot_general3A {dimension_numbers = #tpu.dot_dimension_numbers<[1], [0], [0], [1], [0, 0, 1, 1], [], []>, transpose_lhs_hint = false} : vector<256x256xf32>, vector<256x128xf32>, vector<256x128xf32> -> vector<256x128xf32>
    %add3A_18 = vector.broadcast %get3A_7 : vector<1x128xf32> to vector<256x128xf32>
    %add3A_19 = arith.addf %dot_general3A_17, %add3A_18 : vector<256x128xf32>
    %ge3A_20 = arith.constant 0.000000e+00 : f32
    %ge3A_21 = vector.broadcast %ge3A_20 : f32 to vector<256x128xf32>
    %ge3A_22 = arith.cmpf oge, %add3A_19, %ge3A_21 : vector<256x128xf32>
    %mul3A_23 = arith.constant 0.00999999977 : f32
    %mul3A_24 = vector.broadcast %mul3A_23 : f32 to vector<256x128xf32>
    %mul3A_25 = arith.mulf %mul3A_24, %add3A_19 : vector<256x128xf32>
    %select_n3A_26 = arith.select %ge3A_22, %add3A_19, %mul3A_25 : vector<256x128xi1>, vector<256x128xf32>
    %get3A_27 = arith.constant 1 : index
    %get3A_28 = arith.constant 0 : index
    %get3A_29 = arith.constant 0 : index
    %get3A_30 = vector.load %arg2[%get3A_27, %get3A_28, %get3A_29] : memref<16x256x256xf32, #tpu.memory_space<vmem>>, vector<1x256x256xf32>
    %get3A_31 = vector.shape_cast %get3A_30 : vector<1x256x256xf32> to vector<256x256xf32>
    %add3A_32 = arith.addf %get3A_31, %get3A_1 : vector<256x256xf32>
    %ge3A_33 = arith.constant 0.000000e+00 : f32
    %ge3A_34 = vector.broadcast %ge3A_33 : f32 to vector<256x256xf32>
    %ge3A_35 = arith.cmpf oge, %add3A_32, %ge3A_34 : vector<256x256xf32>
    %mul3A_36 = arith.constant 0.00999999977 : f32
    %mul3A_37 = vector.broadcast %mul3A_36 : f32 to vector<256x256xf32>
    %mul3A_38 = arith.mulf %mul3A_37, %add3A_32 : vector<256x256xf32>
    %select_n3A_39 = arith.select %ge3A_35, %add3A_32, %mul3A_38 : vector<256x256xi1>, vector<256x256xf32>
    %dot_general3A_40 = arith.constant dense<0.000000e+00> : vector<256x128xf32>
    %dot_general3A_41 = tpu.matmul %select_n3A_39, %get3A_4, %dot_general3A_40 {dimension_numbers = #tpu.dot_dimension_numbers<[1], [0], [0], [1], [0, 0, 1, 1], [], []>, transpose_lhs_hint = false} : vector<256x256xf32>, vector<256x128xf32>, vector<256x128xf32> -> vector<256x128xf32>
    %add3A_42 = vector.broadcast %get3A_7 : vector<1x128xf32> to vector<256x128xf32>
    %add3A_43 = arith.addf %dot_general3A_41, %add3A_42 : vector<256x128xf32>
    %ge3A_44 = arith.constant 0.000000e+00 : f32
    %ge3A_45 = vector.broadcast %ge3A_44 : f32 to vector<256x128xf32>
    %ge3A_46 = arith.cmpf oge, %add3A_43, %ge3A_45 : vector<256x128xf32>
    %mul3A_47 = arith.constant 0.00999999977 : f32
    %mul3A_48 = vector.broadcast %mul3A_47 : f32 to vector<256x128xf32>
    %mul3A_49 = arith.mulf %mul3A_48, %add3A_43 : vector<256x128xf32>
    %select_n3A_50 = arith.select %ge3A_46, %add3A_43, %mul3A_49 : vector<256x128xi1>, vector<256x128xf32>
    %max3A = arith.maximumf %select_n3A_26, %select_n3A_50 : vector<256x128xf32>
    %add3A_51 = arith.addf %select_n3A_26, %select_n3A_50 : vector<256x128xf32>
    %get3A_52 = arith.constant 2 : index
    %get3A_53 = arith.constant 0 : index
    %get3A_54 = arith.constant 0 : index
    %get3A_55 = vector.load %arg2[%get3A_52, %get3A_53, %get3A_54] : memref<16x256x256xf32, #tpu.memory_space<vmem>>, vector<1x256x256xf32>
    %get3A_56 = vector.shape_cast %get3A_55 : vector<1x256x256xf32> to vector<256x256xf32>
    %add3A_57 = arith.addf %get3A_56, %get3A_1 : vector<256x256xf32>
    %ge3A_58 = arith.constant 0.000000e+00 : f32
    %ge3A_59 = vector.broadcast %ge3A_58 : f32 to vector<256x256xf32>
    %ge3A_60 = arith.cmpf oge, %add3A_57, %ge3A_59 : vector<256x256xf32>
    %mul3A_61 = arith.constant 0.00999999977 : f32
    %mul3A_62 = vector.broadcast %mul3A_61 : f32 to vector<256x256xf32>
    %mul3A_63 = arith.mulf %mul3A_62, %add3A_57 : vector<256x256xf32>
    %select_n3A_64 = arith.select %ge3A_60, %add3A_57, %mul3A_63 : vector<256x256xi1>, vector<256x256xf32>
    %dot_general3A_65 = arith.constant dense<0.000000e+00> : vector<256x128xf32>
    %dot_general3A_66 = tpu.matmul %select_n3A_64, %get3A_4, %dot_general3A_65 {dimension_numbers = #tpu.dot_dimension_numbers<[1], [0], [0], [1], [0, 0, 1, 1], [], []>, transpose_lhs_hint = false} : vector<256x256xf32>, vector<256x128xf32>, vector<256x128xf32> -> vector<256x128xf32>
    %add3A_67 = vector.broadcast %get3A_7 : vector<1x128xf32> to vector<256x128xf32>
    %add3A_68 = arith.addf %dot_general3A_66, %add3A_67 : vector<256x128xf32>
    %ge3A_69 = arith.constant 0.000000e+00 : f32
    %ge3A_70 = vector.broadcast %ge3A_69 : f32 to vector<256x128xf32>
    %ge3A_71 = arith.cmpf oge, %add3A_68, %ge3A_70 : vector<256x128xf32>
    %mul3A_72 = arith.constant 0.00999999977 : f32
    %mul3A_73 = vector.broadcast %mul3A_72 : f32 to vector<256x128xf32>
    %mul3A_74 = arith.mulf %mul3A_73, %add3A_68 : vector<256x128xf32>
    %select_n3A_75 = arith.select %ge3A_71, %add3A_68, %mul3A_74 : vector<256x128xi1>, vector<256x128xf32>
    %max3A_76 = arith.maximumf %max3A, %select_n3A_75 : vector<256x128xf32>
    %add3A_77 = arith.addf %add3A_51, %select_n3A_75 : vector<256x128xf32>
    %get3A_78 = arith.constant 3 : index
    %get3A_79 = arith.constant 0 : index
    %get3A_80 = arith.constant 0 : index
    %get3A_81 = vector.load %arg2[%get3A_78, %get3A_79, %get3A_80] : memref<16x256x256xf32, #tpu.memory_space<vmem>>, vector<1x256x256xf32>
    %get3A_82 = vector.shape_cast %get3A_81 : vector<1x256x256xf32> to vector<256x256xf32>
    %add3A_83 = arith.addf %get3A_82, %get3A_1 : vector<256x256xf32>
    %ge3A_84 = arith.constant 0.000000e+00 : f32
    %ge3A_85 = vector.broadcast %ge3A_84 : f32 to vector<256x256xf32>
    %ge3A_86 = arith.cmpf oge, %add3A_83, %ge3A_85 : vector<256x256xf32>
    %mul3A_87 = arith.constant 0.00999999977 : f32
    %mul3A_88 = vector.broadcast %mul3A_87 : f32 to vector<256x256xf32>
    %mul3A_89 = arith.mulf %mul3A_88, %add3A_83 : vector<256x256xf32>
    %select_n3A_90 = arith.select %ge3A_86, %add3A_83, %mul3A_89 : vector<256x256xi1>, vector<256x256xf32>
    %dot_general3A_91 = arith.constant dense<0.000000e+00> : vector<256x128xf32>
    %dot_general3A_92 = tpu.matmul %select_n3A_90, %get3A_4, %dot_general3A_91 {dimension_numbers = #tpu.dot_dimension_numbers<[1], [0], [0], [1], [0, 0, 1, 1], [], []>, transpose_lhs_hint = false} : vector<256x256xf32>, vector<256x128xf32>, vector<256x128xf32> -> vector<256x128xf32>
    %add3A_93 = vector.broadcast %get3A_7 : vector<1x128xf32> to vector<256x128xf32>
    %add3A_94 = arith.addf %dot_general3A_92, %add3A_93 : vector<256x128xf32>
    %ge3A_95 = arith.constant 0.000000e+00 : f32
    %ge3A_96 = vector.broadcast %ge3A_95 : f32 to vector<256x128xf32>
    %ge3A_97 = arith.cmpf oge, %add3A_94, %ge3A_96 : vector<256x128xf32>
    %mul3A_98 = arith.constant 0.00999999977 : f32
    %mul3A_99 = vector.broadcast %mul3A_98 : f32 to vector<256x128xf32>
    %mul3A_100 = arith.mulf %mul3A_99, %add3A_94 : vector<256x128xf32>
    %select_n3A_101 = arith.select %ge3A_97, %add3A_94, %mul3A_100 : vector<256x128xi1>, vector<256x128xf32>
    %max3A_102 = arith.maximumf %max3A_76, %select_n3A_101 : vector<256x128xf32>
    %add3A_103 = arith.addf %add3A_77, %select_n3A_101 : vector<256x128xf32>
    %get3A_104 = arith.constant 4 : index
    %get3A_105 = arith.constant 0 : index
    %get3A_106 = arith.constant 0 : index
    %get3A_107 = vector.load %arg2[%get3A_104, %get3A_105, %get3A_106] : memref<16x256x256xf32, #tpu.memory_space<vmem>>, vector<1x256x256xf32>
    %get3A_108 = vector.shape_cast %get3A_107 : vector<1x256x256xf32> to vector<256x256xf32>
    %add3A_109 = arith.addf %get3A_108, %get3A_1 : vector<256x256xf32>
    %ge3A_110 = arith.constant 0.000000e+00 : f32
    %ge3A_111 = vector.broadcast %ge3A_110 : f32 to vector<256x256xf32>
    %ge3A_112 = arith.cmpf oge, %add3A_109, %ge3A_111 : vector<256x256xf32>
    %mul3A_113 = arith.constant 0.00999999977 : f32
    %mul3A_114 = vector.broadcast %mul3A_113 : f32 to vector<256x256xf32>
    %mul3A_115 = arith.mulf %mul3A_114, %add3A_109 : vector<256x256xf32>
    %select_n3A_116 = arith.select %ge3A_112, %add3A_109, %mul3A_115 : vector<256x256xi1>, vector<256x256xf32>
    %dot_general3A_117 = arith.constant dense<0.000000e+00> : vector<256x128xf32>
    %dot_general3A_118 = tpu.matmul %select_n3A_116, %get3A_4, %dot_general3A_117 {dimension_numbers = #tpu.dot_dimension_numbers<[1], [0], [0], [1], [0, 0, 1, 1], [], []>, transpose_lhs_hint = false} : vector<256x256xf32>, vector<256x128xf32>, vector<256x128xf32> -> vector<256x128xf32>
    %add3A_119 = vector.broadcast %get3A_7 : vector<1x128xf32> to vector<256x128xf32>
    %add3A_120 = arith.addf %dot_general3A_118, %add3A_119 : vector<256x128xf32>
    %ge3A_121 = arith.constant 0.000000e+00 : f32
    %ge3A_122 = vector.broadcast %ge3A_121 : f32 to vector<256x128xf32>
    %ge3A_123 = arith.cmpf oge, %add3A_120, %ge3A_122 : vector<256x128xf32>
    %mul3A_124 = arith.constant 0.00999999977 : f32
    %mul3A_125 = vector.broadcast %mul3A_124 : f32 to vector<256x128xf32>
    %mul3A_126 = arith.mulf %mul3A_125, %add3A_120 : vector<256x128xf32>
    %select_n3A_127 = arith.select %ge3A_123, %add3A_120, %mul3A_126 : vector<256x128xi1>, vector<256x128xf32>
    %max3A_128 = arith.maximumf %max3A_102, %select_n3A_127 : vector<256x128xf32>
    %add3A_129 = arith.addf %add3A_103, %select_n3A_127 : vector<256x128xf32>
    %get3A_130 = arith.constant 5 : index
    %get3A_131 = arith.constant 0 : index
    %get3A_132 = arith.constant 0 : index
    %get3A_133 = vector.load %arg2[%get3A_130, %get3A_131, %get3A_132] : memref<16x256x256xf32, #tpu.memory_space<vmem>>, vector<1x256x256xf32>
    %get3A_134 = vector.shape_cast %get3A_133 : vector<1x256x256xf32> to vector<256x256xf32>
    %add3A_135 = arith.addf %get3A_134, %get3A_1 : vector<256x256xf32>
    %ge3A_136 = arith.constant 0.000000e+00 : f32
    %ge3A_137 = vector.broadcast %ge3A_136 : f32 to vector<256x256xf32>
    %ge3A_138 = arith.cmpf oge, %add3A_135, %ge3A_137 : vector<256x256xf32>
    %mul3A_139 = arith.constant 0.00999999977 : f32
    %mul3A_140 = vector.broadcast %mul3A_139 : f32 to vector<256x256xf32>
    %mul3A_141 = arith.mulf %mul3A_140, %add3A_135 : vector<256x256xf32>
    %select_n3A_142 = arith.select %ge3A_138, %add3A_135, %mul3A_141 : vector<256x256xi1>, vector<256x256xf32>
    %dot_general3A_143 = arith.constant dense<0.000000e+00> : vector<256x128xf32>
    %dot_general3A_144 = tpu.matmul %select_n3A_142, %get3A_4, %dot_general3A_143 {dimension_numbers = #tpu.dot_dimension_numbers<[1], [0], [0], [1], [0, 0, 1, 1], [], []>, transpose_lhs_hint = false} : vector<256x256xf32>, vector<256x128xf32>, vector<256x128xf32> -> vector<256x128xf32>
    %add3A_145 = vector.broadcast %get3A_7 : vector<1x128xf32> to vector<256x128xf32>
    %add3A_146 = arith.addf %dot_general3A_144, %add3A_145 : vector<256x128xf32>
    %ge3A_147 = arith.constant 0.000000e+00 : f32
    %ge3A_148 = vector.broadcast %ge3A_147 : f32 to vector<256x128xf32>
    %ge3A_149 = arith.cmpf oge, %add3A_146, %ge3A_148 : vector<256x128xf32>
    %mul3A_150 = arith.constant 0.00999999977 : f32
    %mul3A_151 = vector.broadcast %mul3A_150 : f32 to vector<256x128xf32>
    %mul3A_152 = arith.mulf %mul3A_151, %add3A_146 : vector<256x128xf32>
    %select_n3A_153 = arith.select %ge3A_149, %add3A_146, %mul3A_152 : vector<256x128xi1>, vector<256x128xf32>
    %max3A_154 = arith.maximumf %max3A_128, %select_n3A_153 : vector<256x128xf32>
    %add3A_155 = arith.addf %add3A_129, %select_n3A_153 : vector<256x128xf32>
    %get3A_156 = arith.constant 6 : index
    %get3A_157 = arith.constant 0 : index
    %get3A_158 = arith.constant 0 : index
    %get3A_159 = vector.load %arg2[%get3A_156, %get3A_157, %get3A_158] : memref<16x256x256xf32, #tpu.memory_space<vmem>>, vector<1x256x256xf32>
    %get3A_160 = vector.shape_cast %get3A_159 : vector<1x256x256xf32> to vector<256x256xf32>
    %add3A_161 = arith.addf %get3A_160, %get3A_1 : vector<256x256xf32>
    %ge3A_162 = arith.constant 0.000000e+00 : f32
    %ge3A_163 = vector.broadcast %ge3A_162 : f32 to vector<256x256xf32>
    %ge3A_164 = arith.cmpf oge, %add3A_161, %ge3A_163 : vector<256x256xf32>
    %mul3A_165 = arith.constant 0.00999999977 : f32
    %mul3A_166 = vector.broadcast %mul3A_165 : f32 to vector<256x256xf32>
    %mul3A_167 = arith.mulf %mul3A_166, %add3A_161 : vector<256x256xf32>
    %select_n3A_168 = arith.select %ge3A_164, %add3A_161, %mul3A_167 : vector<256x256xi1>, vector<256x256xf32>
    %dot_general3A_169 = arith.constant dense<0.000000e+00> : vector<256x128xf32>
    %dot_general3A_170 = tpu.matmul %select_n3A_168, %get3A_4, %dot_general3A_169 {dimension_numbers = #tpu.dot_dimension_numbers<[1], [0], [0], [1], [0, 0, 1, 1], [], []>, transpose_lhs_hint = false} : vector<256x256xf32>, vector<256x128xf32>, vector<256x128xf32> -> vector<256x128xf32>
    %add3A_171 = vector.broadcast %get3A_7 : vector<1x128xf32> to vector<256x128xf32>
    %add3A_172 = arith.addf %dot_general3A_170, %add3A_171 : vector<256x128xf32>
    %ge3A_173 = arith.constant 0.000000e+00 : f32
    %ge3A_174 = vector.broadcast %ge3A_173 : f32 to vector<256x128xf32>
    %ge3A_175 = arith.cmpf oge, %add3A_172, %ge3A_174 : vector<256x128xf32>
    %mul3A_176 = arith.constant 0.00999999977 : f32
    %mul3A_177 = vector.broadcast %mul3A_176 : f32 to vector<256x128xf32>
    %mul3A_178 = arith.mulf %mul3A_177, %add3A_172 : vector<256x128xf32>
    %select_n3A_179 = arith.select %ge3A_175, %add3A_172, %mul3A_178 : vector<256x128xi1>, vector<256x128xf32>
    %max3A_180 = arith.maximumf %max3A_154, %select_n3A_179 : vector<256x128xf32>
    %add3A_181 = arith.addf %add3A_155, %select_n3A_179 : vector<256x128xf32>
    %get3A_182 = arith.constant 7 : index
    %get3A_183 = arith.constant 0 : index
    %get3A_184 = arith.constant 0 : index
    %get3A_185 = vector.load %arg2[%get3A_182, %get3A_183, %get3A_184] : memref<16x256x256xf32, #tpu.memory_space<vmem>>, vector<1x256x256xf32>
    %get3A_186 = vector.shape_cast %get3A_185 : vector<1x256x256xf32> to vector<256x256xf32>
    %add3A_187 = arith.addf %get3A_186, %get3A_1 : vector<256x256xf32>
    %ge3A_188 = arith.constant 0.000000e+00 : f32
    %ge3A_189 = vector.broadcast %ge3A_188 : f32 to vector<256x256xf32>
    %ge3A_190 = arith.cmpf oge, %add3A_187, %ge3A_189 : vector<256x256xf32>
    %mul3A_191 = arith.constant 0.00999999977 : f32
    %mul3A_192 = vector.broadcast %mul3A_191 : f32 to vector<256x256xf32>
    %mul3A_193 = arith.mulf %mul3A_192, %add3A_187 : vector<256x256xf32>
    %select_n3A_194 = arith.select %ge3A_190, %add3A_187, %mul3A_193 : vector<256x256xi1>, vector<256x256xf32>
    %dot_general3A_195 = arith.constant dense<0.000000e+00> : vector<256x128xf32>
    %dot_general3A_196 = tpu.matmul %select_n3A_194, %get3A_4, %dot_general3A_195 {dimension_numbers = #tpu.dot_dimension_numbers<[1], [0], [0], [1], [0, 0, 1, 1], [], []>, transpose_lhs_hint = false} : vector<256x256xf32>, vector<256x128xf32>, vector<256x128xf32> -> vector<256x128xf32>
    %add3A_197 = vector.broadcast %get3A_7 : vector<1x128xf32> to vector<256x128xf32>
    %add3A_198 = arith.addf %dot_general3A_196, %add3A_197 : vector<256x128xf32>
    %ge3A_199 = arith.constant 0.000000e+00 : f32
    %ge3A_200 = vector.broadcast %ge3A_199 : f32 to vector<256x128xf32>
    %ge3A_201 = arith.cmpf oge, %add3A_198, %ge3A_200 : vector<256x128xf32>
    %mul3A_202 = arith.constant 0.00999999977 : f32
    %mul3A_203 = vector.broadcast %mul3A_202 : f32 to vector<256x128xf32>
    %mul3A_204 = arith.mulf %mul3A_203, %add3A_198 : vector<256x128xf32>
    %select_n3A_205 = arith.select %ge3A_201, %add3A_198, %mul3A_204 : vector<256x128xi1>, vector<256x128xf32>
    %max3A_206 = arith.maximumf %max3A_180, %select_n3A_205 : vector<256x128xf32>
    %add3A_207 = arith.addf %add3A_181, %select_n3A_205 : vector<256x128xf32>
    %get3A_208 = arith.constant 8 : index
    %get3A_209 = arith.constant 0 : index
    %get3A_210 = arith.constant 0 : index
    %get3A_211 = vector.load %arg2[%get3A_208, %get3A_209, %get3A_210] : memref<16x256x256xf32, #tpu.memory_space<vmem>>, vector<1x256x256xf32>
    %get3A_212 = vector.shape_cast %get3A_211 : vector<1x256x256xf32> to vector<256x256xf32>
    %add3A_213 = arith.addf %get3A_212, %get3A_1 : vector<256x256xf32>
    %ge3A_214 = arith.constant 0.000000e+00 : f32
    %ge3A_215 = vector.broadcast %ge3A_214 : f32 to vector<256x256xf32>
    %ge3A_216 = arith.cmpf oge, %add3A_213, %ge3A_215 : vector<256x256xf32>
    %mul3A_217 = arith.constant 0.00999999977 : f32
    %mul3A_218 = vector.broadcast %mul3A_217 : f32 to vector<256x256xf32>
    %mul3A_219 = arith.mulf %mul3A_218, %add3A_213 : vector<256x256xf32>
    %select_n3A_220 = arith.select %ge3A_216, %add3A_213, %mul3A_219 : vector<256x256xi1>, vector<256x256xf32>
    %dot_general3A_221 = arith.constant dense<0.000000e+00> : vector<256x128xf32>
    %dot_general3A_222 = tpu.matmul %select_n3A_220, %get3A_4, %dot_general3A_221 {dimension_numbers = #tpu.dot_dimension_numbers<[1], [0], [0], [1], [0, 0, 1, 1], [], []>, transpose_lhs_hint = false} : vector<256x256xf32>, vector<256x128xf32>, vector<256x128xf32> -> vector<256x128xf32>
    %add3A_223 = vector.broadcast %get3A_7 : vector<1x128xf32> to vector<256x128xf32>
    %add3A_224 = arith.addf %dot_general3A_222, %add3A_223 : vector<256x128xf32>
    %ge3A_225 = arith.constant 0.000000e+00 : f32
    %ge3A_226 = vector.broadcast %ge3A_225 : f32 to vector<256x128xf32>
    %ge3A_227 = arith.cmpf oge, %add3A_224, %ge3A_226 : vector<256x128xf32>
    %mul3A_228 = arith.constant 0.00999999977 : f32
    %mul3A_229 = vector.broadcast %mul3A_228 : f32 to vector<256x128xf32>
    %mul3A_230 = arith.mulf %mul3A_229, %add3A_224 : vector<256x128xf32>
    %select_n3A_231 = arith.select %ge3A_227, %add3A_224, %mul3A_230 : vector<256x128xi1>, vector<256x128xf32>
    %max3A_232 = arith.maximumf %max3A_206, %select_n3A_231 : vector<256x128xf32>
    %add3A_233 = arith.addf %add3A_207, %select_n3A_231 : vector<256x128xf32>
    %get3A_234 = arith.constant 9 : index
    %get3A_235 = arith.constant 0 : index
    %get3A_236 = arith.constant 0 : index
    %get3A_237 = vector.load %arg2[%get3A_234, %get3A_235, %get3A_236] : memref<16x256x256xf32, #tpu.memory_space<vmem>>, vector<1x256x256xf32>
    %get3A_238 = vector.shape_cast %get3A_237 : vector<1x256x256xf32> to vector<256x256xf32>
    %add3A_239 = arith.addf %get3A_238, %get3A_1 : vector<256x256xf32>
    %ge3A_240 = arith.constant 0.000000e+00 : f32
    %ge3A_241 = vector.broadcast %ge3A_240 : f32 to vector<256x256xf32>
    %ge3A_242 = arith.cmpf oge, %add3A_239, %ge3A_241 : vector<256x256xf32>
    %mul3A_243 = arith.constant 0.00999999977 : f32
    %mul3A_244 = vector.broadcast %mul3A_243 : f32 to vector<256x256xf32>
    %mul3A_245 = arith.mulf %mul3A_244, %add3A_239 : vector<256x256xf32>
    %select_n3A_246 = arith.select %ge3A_242, %add3A_239, %mul3A_245 : vector<256x256xi1>, vector<256x256xf32>
    %dot_general3A_247 = arith.constant dense<0.000000e+00> : vector<256x128xf32>
    %dot_general3A_248 = tpu.matmul %select_n3A_246, %get3A_4, %dot_general3A_247 {dimension_numbers = #tpu.dot_dimension_numbers<[1], [0], [0], [1], [0, 0, 1, 1], [], []>, transpose_lhs_hint = false} : vector<256x256xf32>, vector<256x128xf32>, vector<256x128xf32> -> vector<256x128xf32>
    %add3A_249 = vector.broadcast %get3A_7 : vector<1x128xf32> to vector<256x128xf32>
    %add3A_250 = arith.addf %dot_general3A_248, %add3A_249 : vector<256x128xf32>
    %ge3A_251 = arith.constant 0.000000e+00 : f32
    %ge3A_252 = vector.broadcast %ge3A_251 : f32 to vector<256x128xf32>
    %ge3A_253 = arith.cmpf oge, %add3A_250, %ge3A_252 : vector<256x128xf32>
    %mul3A_254 = arith.constant 0.00999999977 : f32
    %mul3A_255 = vector.broadcast %mul3A_254 : f32 to vector<256x128xf32>
    %mul3A_256 = arith.mulf %mul3A_255, %add3A_250 : vector<256x128xf32>
    %select_n3A_257 = arith.select %ge3A_253, %add3A_250, %mul3A_256 : vector<256x128xi1>, vector<256x128xf32>
    %max3A_258 = arith.maximumf %max3A_232, %select_n3A_257 : vector<256x128xf32>
    %add3A_259 = arith.addf %add3A_233, %select_n3A_257 : vector<256x128xf32>
    %get3A_260 = arith.constant 10 : index
    %get3A_261 = arith.constant 0 : index
    %get3A_262 = arith.constant 0 : index
    %get3A_263 = vector.load %arg2[%get3A_260, %get3A_261, %get3A_262] : memref<16x256x256xf32, #tpu.memory_space<vmem>>, vector<1x256x256xf32>
    %get3A_264 = vector.shape_cast %get3A_263 : vector<1x256x256xf32> to vector<256x256xf32>
    %add3A_265 = arith.addf %get3A_264, %get3A_1 : vector<256x256xf32>
    %ge3A_266 = arith.constant 0.000000e+00 : f32
    %ge3A_267 = vector.broadcast %ge3A_266 : f32 to vector<256x256xf32>
    %ge3A_268 = arith.cmpf oge, %add3A_265, %ge3A_267 : vector<256x256xf32>
    %mul3A_269 = arith.constant 0.00999999977 : f32
    %mul3A_270 = vector.broadcast %mul3A_269 : f32 to vector<256x256xf32>
    %mul3A_271 = arith.mulf %mul3A_270, %add3A_265 : vector<256x256xf32>
    %select_n3A_272 = arith.select %ge3A_268, %add3A_265, %mul3A_271 : vector<256x256xi1>, vector<256x256xf32>
    %dot_general3A_273 = arith.constant dense<0.000000e+00> : vector<256x128xf32>
    %dot_general3A_274 = tpu.matmul %select_n3A_272, %get3A_4, %dot_general3A_273 {dimension_numbers = #tpu.dot_dimension_numbers<[1], [0], [0], [1], [0, 0, 1, 1], [], []>, transpose_lhs_hint = false} : vector<256x256xf32>, vector<256x128xf32>, vector<256x128xf32> -> vector<256x128xf32>
    %add3A_275 = vector.broadcast %get3A_7 : vector<1x128xf32> to vector<256x128xf32>
    %add3A_276 = arith.addf %dot_general3A_274, %add3A_275 : vector<256x128xf32>
    %ge3A_277 = arith.constant 0.000000e+00 : f32
    %ge3A_278 = vector.broadcast %ge3A_277 : f32 to vector<256x128xf32>
    %ge3A_279 = arith.cmpf oge, %add3A_276, %ge3A_278 : vector<256x128xf32>
    %mul3A_280 = arith.constant 0.00999999977 : f32
    %mul3A_281 = vector.broadcast %mul3A_280 : f32 to vector<256x128xf32>
    %mul3A_282 = arith.mulf %mul3A_281, %add3A_276 : vector<256x128xf32>
    %select_n3A_283 = arith.select %ge3A_279, %add3A_276, %mul3A_282 : vector<256x128xi1>, vector<256x128xf32>
    %max3A_284 = arith.maximumf %max3A_258, %select_n3A_283 : vector<256x128xf32>
    %add3A_285 = arith.addf %add3A_259, %select_n3A_283 : vector<256x128xf32>
    %get3A_286 = arith.constant 11 : index
    %get3A_287 = arith.constant 0 : index
    %get3A_288 = arith.constant 0 : index
    %get3A_289 = vector.load %arg2[%get3A_286, %get3A_287, %get3A_288] : memref<16x256x256xf32, #tpu.memory_space<vmem>>, vector<1x256x256xf32>
    %get3A_290 = vector.shape_cast %get3A_289 : vector<1x256x256xf32> to vector<256x256xf32>
    %add3A_291 = arith.addf %get3A_290, %get3A_1 : vector<256x256xf32>
    %ge3A_292 = arith.constant 0.000000e+00 : f32
    %ge3A_293 = vector.broadcast %ge3A_292 : f32 to vector<256x256xf32>
    %ge3A_294 = arith.cmpf oge, %add3A_291, %ge3A_293 : vector<256x256xf32>
    %mul3A_295 = arith.constant 0.00999999977 : f32
    %mul3A_296 = vector.broadcast %mul3A_295 : f32 to vector<256x256xf32>
    %mul3A_297 = arith.mulf %mul3A_296, %add3A_291 : vector<256x256xf32>
    %select_n3A_298 = arith.select %ge3A_294, %add3A_291, %mul3A_297 : vector<256x256xi1>, vector<256x256xf32>
    %dot_general3A_299 = arith.constant dense<0.000000e+00> : vector<256x128xf32>
    %dot_general3A_300 = tpu.matmul %select_n3A_298, %get3A_4, %dot_general3A_299 {dimension_numbers = #tpu.dot_dimension_numbers<[1], [0], [0], [1], [0, 0, 1, 1], [], []>, transpose_lhs_hint = false} : vector<256x256xf32>, vector<256x128xf32>, vector<256x128xf32> -> vector<256x128xf32>
    %add3A_301 = vector.broadcast %get3A_7 : vector<1x128xf32> to vector<256x128xf32>
    %add3A_302 = arith.addf %dot_general3A_300, %add3A_301 : vector<256x128xf32>
    %ge3A_303 = arith.constant 0.000000e+00 : f32
    %ge3A_304 = vector.broadcast %ge3A_303 : f32 to vector<256x128xf32>
    %ge3A_305 = arith.cmpf oge, %add3A_302, %ge3A_304 : vector<256x128xf32>
    %mul3A_306 = arith.constant 0.00999999977 : f32
    %mul3A_307 = vector.broadcast %mul3A_306 : f32 to vector<256x128xf32>
    %mul3A_308 = arith.mulf %mul3A_307, %add3A_302 : vector<256x128xf32>
    %select_n3A_309 = arith.select %ge3A_305, %add3A_302, %mul3A_308 : vector<256x128xi1>, vector<256x128xf32>
    %max3A_310 = arith.maximumf %max3A_284, %select_n3A_309 : vector<256x128xf32>
    %add3A_311 = arith.addf %add3A_285, %select_n3A_309 : vector<256x128xf32>
    %get3A_312 = arith.constant 12 : index
    %get3A_313 = arith.constant 0 : index
    %get3A_314 = arith.constant 0 : index
    %get3A_315 = vector.load %arg2[%get3A_312, %get3A_313, %get3A_314] : memref<16x256x256xf32, #tpu.memory_space<vmem>>, vector<1x256x256xf32>
    %get3A_316 = vector.shape_cast %get3A_315 : vector<1x256x256xf32> to vector<256x256xf32>
    %add3A_317 = arith.addf %get3A_316, %get3A_1 : vector<256x256xf32>
    %ge3A_318 = arith.constant 0.000000e+00 : f32
    %ge3A_319 = vector.broadcast %ge3A_318 : f32 to vector<256x256xf32>
    %ge3A_320 = arith.cmpf oge, %add3A_317, %ge3A_319 : vector<256x256xf32>
    %mul3A_321 = arith.constant 0.00999999977 : f32
    %mul3A_322 = vector.broadcast %mul3A_321 : f32 to vector<256x256xf32>
    %mul3A_323 = arith.mulf %mul3A_322, %add3A_317 : vector<256x256xf32>
    %select_n3A_324 = arith.select %ge3A_320, %add3A_317, %mul3A_323 : vector<256x256xi1>, vector<256x256xf32>
    %dot_general3A_325 = arith.constant dense<0.000000e+00> : vector<256x128xf32>
    %dot_general3A_326 = tpu.matmul %select_n3A_324, %get3A_4, %dot_general3A_325 {dimension_numbers = #tpu.dot_dimension_numbers<[1], [0], [0], [1], [0, 0, 1, 1], [], []>, transpose_lhs_hint = false} : vector<256x256xf32>, vector<256x128xf32>, vector<256x128xf32> -> vector<256x128xf32>
    %add3A_327 = vector.broadcast %get3A_7 : vector<1x128xf32> to vector<256x128xf32>
    %add3A_328 = arith.addf %dot_general3A_326, %add3A_327 : vector<256x128xf32>
    %ge3A_329 = arith.constant 0.000000e+00 : f32
    %ge3A_330 = vector.broadcast %ge3A_329 : f32 to vector<256x128xf32>
    %ge3A_331 = arith.cmpf oge, %add3A_328, %ge3A_330 : vector<256x128xf32>
    %mul3A_332 = arith.constant 0.00999999977 : f32
    %mul3A_333 = vector.broadcast %mul3A_332 : f32 to vector<256x128xf32>
    %mul3A_334 = arith.mulf %mul3A_333, %add3A_328 : vector<256x128xf32>
    %select_n3A_335 = arith.select %ge3A_331, %add3A_328, %mul3A_334 : vector<256x128xi1>, vector<256x128xf32>
    %max3A_336 = arith.maximumf %max3A_310, %select_n3A_335 : vector<256x128xf32>
    %add3A_337 = arith.addf %add3A_311, %select_n3A_335 : vector<256x128xf32>
    %get3A_338 = arith.constant 13 : index
    %get3A_339 = arith.constant 0 : index
    %get3A_340 = arith.constant 0 : index
    %get3A_341 = vector.load %arg2[%get3A_338, %get3A_339, %get3A_340] : memref<16x256x256xf32, #tpu.memory_space<vmem>>, vector<1x256x256xf32>
    %get3A_342 = vector.shape_cast %get3A_341 : vector<1x256x256xf32> to vector<256x256xf32>
    %add3A_343 = arith.addf %get3A_342, %get3A_1 : vector<256x256xf32>
    %ge3A_344 = arith.constant 0.000000e+00 : f32
    %ge3A_345 = vector.broadcast %ge3A_344 : f32 to vector<256x256xf32>
    %ge3A_346 = arith.cmpf oge, %add3A_343, %ge3A_345 : vector<256x256xf32>
    %mul3A_347 = arith.constant 0.00999999977 : f32
    %mul3A_348 = vector.broadcast %mul3A_347 : f32 to vector<256x256xf32>
    %mul3A_349 = arith.mulf %mul3A_348, %add3A_343 : vector<256x256xf32>
    %select_n3A_350 = arith.select %ge3A_346, %add3A_343, %mul3A_349 : vector<256x256xi1>, vector<256x256xf32>
    %dot_general3A_351 = arith.constant dense<0.000000e+00> : vector<256x128xf32>
    %dot_general3A_352 = tpu.matmul %select_n3A_350, %get3A_4, %dot_general3A_351 {dimension_numbers = #tpu.dot_dimension_numbers<[1], [0], [0], [1], [0, 0, 1, 1], [], []>, transpose_lhs_hint = false} : vector<256x256xf32>, vector<256x128xf32>, vector<256x128xf32> -> vector<256x128xf32>
    %add3A_353 = vector.broadcast %get3A_7 : vector<1x128xf32> to vector<256x128xf32>
    %add3A_354 = arith.addf %dot_general3A_352, %add3A_353 : vector<256x128xf32>
    %ge3A_355 = arith.constant 0.000000e+00 : f32
    %ge3A_356 = vector.broadcast %ge3A_355 : f32 to vector<256x128xf32>
    %ge3A_357 = arith.cmpf oge, %add3A_354, %ge3A_356 : vector<256x128xf32>
    %mul3A_358 = arith.constant 0.00999999977 : f32
    %mul3A_359 = vector.broadcast %mul3A_358 : f32 to vector<256x128xf32>
    %mul3A_360 = arith.mulf %mul3A_359, %add3A_354 : vector<256x128xf32>
    %select_n3A_361 = arith.select %ge3A_357, %add3A_354, %mul3A_360 : vector<256x128xi1>, vector<256x128xf32>
    %max3A_362 = arith.maximumf %max3A_336, %select_n3A_361 : vector<256x128xf32>
    %add3A_363 = arith.addf %add3A_337, %select_n3A_361 : vector<256x128xf32>
    %get3A_364 = arith.constant 14 : index
    %get3A_365 = arith.constant 0 : index
    %get3A_366 = arith.constant 0 : index
    %get3A_367 = vector.load %arg2[%get3A_364, %get3A_365, %get3A_366] : memref<16x256x256xf32, #tpu.memory_space<vmem>>, vector<1x256x256xf32>
    %get3A_368 = vector.shape_cast %get3A_367 : vector<1x256x256xf32> to vector<256x256xf32>
    %add3A_369 = arith.addf %get3A_368, %get3A_1 : vector<256x256xf32>
    %ge3A_370 = arith.constant 0.000000e+00 : f32
    %ge3A_371 = vector.broadcast %ge3A_370 : f32 to vector<256x256xf32>
    %ge3A_372 = arith.cmpf oge, %add3A_369, %ge3A_371 : vector<256x256xf32>
    %mul3A_373 = arith.constant 0.00999999977 : f32
    %mul3A_374 = vector.broadcast %mul3A_373 : f32 to vector<256x256xf32>
    %mul3A_375 = arith.mulf %mul3A_374, %add3A_369 : vector<256x256xf32>
    %select_n3A_376 = arith.select %ge3A_372, %add3A_369, %mul3A_375 : vector<256x256xi1>, vector<256x256xf32>
    %dot_general3A_377 = arith.constant dense<0.000000e+00> : vector<256x128xf32>
    %dot_general3A_378 = tpu.matmul %select_n3A_376, %get3A_4, %dot_general3A_377 {dimension_numbers = #tpu.dot_dimension_numbers<[1], [0], [0], [1], [0, 0, 1, 1], [], []>, transpose_lhs_hint = false} : vector<256x256xf32>, vector<256x128xf32>, vector<256x128xf32> -> vector<256x128xf32>
    %add3A_379 = vector.broadcast %get3A_7 : vector<1x128xf32> to vector<256x128xf32>
    %add3A_380 = arith.addf %dot_general3A_378, %add3A_379 : vector<256x128xf32>
    %ge3A_381 = arith.constant 0.000000e+00 : f32
    %ge3A_382 = vector.broadcast %ge3A_381 : f32 to vector<256x128xf32>
    %ge3A_383 = arith.cmpf oge, %add3A_380, %ge3A_382 : vector<256x128xf32>
    %mul3A_384 = arith.constant 0.00999999977 : f32
    %mul3A_385 = vector.broadcast %mul3A_384 : f32 to vector<256x128xf32>
    %mul3A_386 = arith.mulf %mul3A_385, %add3A_380 : vector<256x128xf32>
    %select_n3A_387 = arith.select %ge3A_383, %add3A_380, %mul3A_386 : vector<256x128xi1>, vector<256x128xf32>
    %max3A_388 = arith.maximumf %max3A_362, %select_n3A_387 : vector<256x128xf32>
    %add3A_389 = arith.addf %add3A_363, %select_n3A_387 : vector<256x128xf32>
    %get3A_390 = arith.constant 15 : index
    %get3A_391 = arith.constant 0 : index
    %get3A_392 = arith.constant 0 : index
    %get3A_393 = vector.load %arg2[%get3A_390, %get3A_391, %get3A_392] : memref<16x256x256xf32, #tpu.memory_space<vmem>>, vector<1x256x256xf32>
    %get3A_394 = vector.shape_cast %get3A_393 : vector<1x256x256xf32> to vector<256x256xf32>
    %add3A_395 = arith.addf %get3A_394, %get3A_1 : vector<256x256xf32>
    %ge3A_396 = arith.constant 0.000000e+00 : f32
    %ge3A_397 = vector.broadcast %ge3A_396 : f32 to vector<256x256xf32>
    %ge3A_398 = arith.cmpf oge, %add3A_395, %ge3A_397 : vector<256x256xf32>
    %mul3A_399 = arith.constant 0.00999999977 : f32
    %mul3A_400 = vector.broadcast %mul3A_399 : f32 to vector<256x256xf32>
    %mul3A_401 = arith.mulf %mul3A_400, %add3A_395 : vector<256x256xf32>
    %select_n3A_402 = arith.select %ge3A_398, %add3A_395, %mul3A_401 : vector<256x256xi1>, vector<256x256xf32>
    %dot_general3A_403 = arith.constant dense<0.000000e+00> : vector<256x128xf32>
    %dot_general3A_404 = tpu.matmul %select_n3A_402, %get3A_4, %dot_general3A_403 {dimension_numbers = #tpu.dot_dimension_numbers<[1], [0], [0], [1], [0, 0, 1, 1], [], []>, transpose_lhs_hint = false} : vector<256x256xf32>, vector<256x128xf32>, vector<256x128xf32> -> vector<256x128xf32>
    %add3A_405 = vector.broadcast %get3A_7 : vector<1x128xf32> to vector<256x128xf32>
    %add3A_406 = arith.addf %dot_general3A_404, %add3A_405 : vector<256x128xf32>
    %ge3A_407 = arith.constant 0.000000e+00 : f32
    %ge3A_408 = vector.broadcast %ge3A_407 : f32 to vector<256x128xf32>
    %ge3A_409 = arith.cmpf oge, %add3A_406, %ge3A_408 : vector<256x128xf32>
    %mul3A_410 = arith.constant 0.00999999977 : f32
    %mul3A_411 = vector.broadcast %mul3A_410 : f32 to vector<256x128xf32>
    %mul3A_412 = arith.mulf %mul3A_411, %add3A_406 : vector<256x128xf32>
    %select_n3A_413 = arith.select %ge3A_409, %add3A_406, %mul3A_412 : vector<256x128xi1>, vector<256x128xf32>
    %max3A_414 = arith.maximumf %max3A_388, %select_n3A_413 : vector<256x128xf32>
    %add3A_415 = arith.addf %add3A_389, %select_n3A_413 : vector<256x128xf32>
    %mul3A_416 = arith.constant 6.250000e-02 : f32
    %mul3A_417 = vector.broadcast %mul3A_416 : f32 to vector<256x128xf32>
    %mul3A_418 = arith.mulf %add3A_415, %mul3A_417 : vector<256x128xf32>
    %concatenate3A = tpu.concatenate %max3A_414, %mul3A_418, %add3A_415 in 1 : vector<256x128xf32>, vector<256x128xf32>, vector<256x128xf32> -> vector<256x384xf32>
    %ge3A_419 = arith.constant 0.000000e+00 : f32
    %ge3A_420 = vector.broadcast %ge3A_419 : f32 to vector<256x384xf32>
    %ge3A_421 = arith.cmpf oge, %concatenate3A, %ge3A_420 : vector<256x384xf32>
    %mul3A_422 = arith.constant 0.00999999977 : f32
    %mul3A_423 = vector.broadcast %mul3A_422 : f32 to vector<256x384xf32>
    %mul3A_424 = arith.mulf %mul3A_423, %concatenate3A : vector<256x384xf32>
    %select_n3A_425 = arith.select %ge3A_421, %concatenate3A, %mul3A_424 : vector<256x384xi1>, vector<256x384xf32>
    %swap3A = arith.constant 0 : index
    %swap3A_426 = arith.constant 0 : index
    %swap3A_427 = vector.load %arg5[%swap3A, %swap3A_426] : memref<256x384xf32, #tpu.memory_space<vmem>>, vector<256x384xf32>
    tpu.vector_store %arg5[%swap3A, %swap3A_426], %select_n3A_425 {strides = array<i32>} : memref<256x384xf32, #tpu.memory_space<vmem>>, vector<256x384xf32>,
    return
  }
  func.func @transform_0(%arg0: i32) -> (i32, i32) {
    %c0_i32 = arith.constant 0 : i32
    %c0_i32_0 = arith.constant 0 : i32
    return %arg0, %c0_i32 : i32, i32
  }
  func.func @transform_1(%arg0: i32) -> (i32, i32, i32) {
    %c0_i32 = arith.constant 0 : i32
    %c0_i32_0 = arith.constant 0 : i32
    %c0_i32_1 = arith.constant 0 : i32
    return %c0_i32, %arg0, %c0_i32_0 : i32, i32, i32
  }
  func.func @transform_2(%arg0: i32) -> (i32, i32) {
    %c0_i32 = arith.constant 0 : i32
    %c0_i32_0 = arith.constant 0 : i32
    %c0_i32_1 = arith.constant 0 : i32
    return %c0_i32, %c0_i32_0 : i32, i32
  }
  func.func @transform_3(%arg0: i32) -> (i32, i32) {
    %c0_i32 = arith.constant 0 : i32
    %c0_i32_0 = arith.constant 0 : i32
    %c0_i32_1 = arith.constant 0 : i32
    return %c0_i32, %c0_i32_0 : i32, i32
  }
  func.func @transform_4(%arg0: i32) -> (i32, i32) {
    %c0_i32 = arith.constant 0 : i32
    %c0_i32_0 = arith.constant 0 : i32
    return %arg0, %c0_i32 : i32, i32
  }
}

</mosaic_0001>

<sc_bundles>
// kernel: kernel.5.cloned.1.call-start
scs
__scs_entry_jumppad:
0x0: {  	(pc) =	sbr.rel $0x88, $3  }
0x1: {  	(tag) =	ssettag $0x0;
	lr =	simm.s32 $0x1  }
0x2: {  	[smem:$0x3F9B] =	sst lr;
	_ =	strace $0xD0000000  }
0x3: {  	_ = 	snop  }
0x4: {  	_ = 	snop  }
0x5: {  	_ = 	snop  }
0x6: {  	_ = 	snop  }
0x7: {  	_ = 	snop  }
__scs_overlays_trampoline_lowered:
0x8: {  	[smem:$0x3FAA] =	sst s0  }
0x9: {  	[smem:$0x3FAB] =	sst s1  }
0xa: {  	[smem:$0x3FAC] =	sst s2  }
0xb: {  	[smem:$0x3FAD] =	sst s3  }
0xc: {  	[smem:$0x3FAE] =	sst s4  }
0xd: {  	[smem:$0x3FAF] =	sst s5  }
0xe: {  	[smem:$0x3FB0] =	sst s6  }
0xf: {  	[smem:$0x3FB1] =	sst s7  }
0x10: {  	[smem:$0x3FB2] =	sst s8  }
0x11: {  	[smem:$0x3FB3] =	sst s9;
	s0 =	simm.s32 @!p0 $0x0  }
0x12: {  	s1 =	sld [smem:$0x3F99];
	s0 =	simm.s32 @p0 $0x1  }
0x13: {  	[smem:$0x3FB4] =	sst s0;
	s0 =	simm.s32 @!p1 $0x0  }
0x14: {  	s2 =	sld [smem:$0x3F98];
	s0 =	simm.s32 @p1 $0x1  }
0x15: {  	[smem:$0x3FB5] =	sst s0;
	s0 =	simm.s32 @!p2 $0x0  }
0x16: {  	s3 =	sld [smem:$0x3FDB];
	s0 =	simm.s32 @p2 $0x1  }
0x17: {  	s4 =	simm.s32 $0x1BF5;
	[smem:$0x3FB7] =	sst s0  }
0x18: {  	s0 =	sld [smem:$0x3F9A];
	_ =	swait.ge [sflag:s4], $0x0  }
0x19: {  	s7 =	sld [smem:$0x3F9B]  }
0x1a: {  	s8 =	sadd.s32 $0xFFFFE003, lr  }
0x1b: {  	s9 =	sadd.s32 $0xFFFFFEF7, lr;
	s5 =	simm.s32 $0xFFFFFFFF;
	p2 =	slt.u32 s8, $0xFFFFF086  }
0x1c: {  	p1 =	slt.u32 s9, $0xF7A;
	s5 =	simm.s32 @!p2 $0x0  }
0x1d: {  	s5 =	simm.s32 @p1 $0x1;
	p0 =	seq.s32 s7, s2  }
0x1e: {  	s7 =	smul.u32 @!p0 $0xF7A, s2;
	p2 =	seq.s32 @!p0 s5, $0x0  }
0x1f: {  	s9 =	smul.u32 $0xF7A, s1;
	s8 =	simm.s32 @!p0 $0x1BF5;
	p2 =	por !p2, p0  }
0x20: {  	[sflag:s8] =	ssyncset.s32 @!p0 $0xFFFFF086;
	s6 =	sadd.s32 @!p0 s3, s7;
	s7 =	simm.s32 @!p0 $0x108  }
0x21: {  	s3 =	sadd.s32 s3, s9;
	s6 =	sadd.s32 @!p0 $0x88, s6;
	s7 =	simm.s32 @p2 $0x1082  }
0x22: {  	[simem:s7], [sflag:s8] =	dma.local @!p0 [hbm:s6], $0xF7A  }
0x23: {  	s9 =	sor.u32 $0xD0000000, s2;
	s6 =	simm.s32 $0x108;
	_ =	swait.ge @!p0 [sflag:s8], $0x0  }
0x24: {  	s3 =	sadd.s32 $0x88, s3;
	s6 =	simm.s32 @!p1 $0x1082;
	[sflag:s4] =	ssyncset.s32 $0xFFFFF086  }
0x25: {  	[simem:s6], [sflag:s4] =	dma.local [hbm:s3], $0xF7A  }
0x26: {  	[smem:$0x3F9B] =	sst s1;
	(tag) =	ssettag s2;
	_ =	strace s9  }
0x27: {  	s1 =	sld [smem:$0x3FAB]  }
0x28: {  	s2 =	sld [smem:$0x3FAC]  }
0x29: {  	s4 =	sld [smem:$0x3FAE]  }
0x2a: {  	p0 =	seq.s32 s5, $0x0;
	s5 =	sld [smem:$0x3FAF]  }
0x2b: {  	s6 =	sld [smem:$0x3FB0]  }
0x2c: {  	s7 =	sld [smem:$0x3FB1]  }
0x2d: {  	s3 =	simm.s32 $0x108;
	s8 =	sld [smem:$0x3FB2]  }
0x2e: {  	s3 =	simm.s32 @!p0 $0x1082;
	s9 =	sld [smem:$0x3FB3]  }
0x2f: {  	lr =	sadd.s32 s0, s3;
	s0 =	sld [smem:$0x3FAA]  }
0x30: {  	s3 =	sld [smem:$0x3FAD]  }
0x31: {  	[smem:$0x3FB6] =	sst s10  }
0x32: {  	s10 =	sld [smem:$0x3FB4];
	_ =	sdelay $0x3  }
0x33: {  	p0 =	seq.s32 s10, $0x1;
	s10 =	sld [smem:$0x3FB6];
	_ =	sdelay $0x3  }
0x34: {  	[smem:$0x3FB6] =	sst s10  }
0x35: {  	s10 =	sld [smem:$0x3FB5];
	_ =	sdelay $0x3  }
0x36: {  	p1 =	seq.s32 s10, $0x1;
	s10 =	sld [smem:$0x3FB6];
	_ =	sdelay $0x3  }
0x37: {  	[smem:$0x3FB6] =	sst s10  }
0x38: {  	s10 =	sld [smem:$0x3FB7]  }
0x39: {  	_ = 	snop;
	(pc) =	sbr.ind lr, $3  }
0x3a: {  	_ = 	snop  }
0x3b: {  	_ = 	snop  }
0x3c: {  	p2 =	seq.s32 s10, $0x1;
	s10 =	sld [smem:$0x3FB6]  }
0x3d: {  	_ =	shalt  }
0x3e: {  	_ =	shalt  }
0x3f: {  	_ =	shalt  }
0x40: {  	_ =	shalt  }
0x41: {  	_ =	shalt  }
0x42: {  	_ =	shalt  }
0x43: {  	_ =	shalt  }
0x44: {  	_ =	shalt  }
0x45: {  	_ =	shalt  }
0x46: {  	_ =	shalt  }
0x47: {  	_ =	shalt  }
0x48: {  	_ =	shalt  }
0x49: {  	_ =	shalt  }
0x4a: {  	_ =	shalt  }
0x4b: {  	_ =	shalt  }
0x4c: {  	_ =	shalt  }
0x4d: {  	_ =	shalt  }
0x4e: {  	_ =	shalt  }
0x4f: {  	_ =	shalt  }
0x50: {  	_ =	shalt  }
0x51: {  	_ =	shalt  }
0x52: {  	_ =	shalt  }
0x53: {  	_ =	shalt  }
0x54: {  	_ =	shalt  }
0x55: {  	_ =	shalt  }
0x56: {  	_ =	shalt  }
0x57: {  	_ =	shalt  }
0x58: {  	_ =	shalt  }
0x59: {  	_ =	shalt  }
0x5a: {  	_ =	shalt  }
0x5b: {  	_ =	shalt  }
0x5c: {  	_ =	shalt  }
0x5d: {  	_ =	shalt  }
0x5e: {  	_ =	shalt  }
0x5f: {  	_ =	shalt  }
0x60: {  	_ =	shalt  }
0x61: {  	_ =	shalt  }
0x62: {  	_ =	shalt  }
0x63: {  	_ =	shalt  }
0x64: {  	_ =	shalt  }
0x65: {  	_ =	shalt  }
0x66: {  	_ =	shalt  }
0x67: {  	_ =	shalt  }
0x68: {  	_ =	shalt  }
0x69: {  	_ =	shalt  }
0x6a: {  	_ =	shalt  }
0x6b: {  	_ =	shalt  }
0x6c: {  	_ =	shalt  }
0x6d: {  	_ =	shalt  }
0x6e: {  	_ =	shalt  }
0x6f: {  	_ =	shalt  }
0x70: {  	_ =	shalt  }
0x71: {  	_ =	shalt  }
0x72: {  	_ =	shalt  }
0x73: {  	_ =	shalt  }
0x74: {  	_ =	shalt  }
0x75: {  	_ =	shalt  }
0x76: {  	_ =	shalt  }
0x77: {  	_ =	shalt  }
0x78: {  	_ =	shalt  }
0x79: {  	_ =	shalt  }
0x7a: {  	_ =	shalt  }
0x7b: {  	_ =	shalt  }
0x7c: {  	_ =	shalt  }
0x7d: {  	_ =	shalt  }
0x7e: {  	_ =	shalt  }
0x7f: {  	_ =	shalt  }
0x80: {  	_ =	shalt  }
0x81: {  	_ =	shalt  }
0x82: {  	_ =	shalt  }
0x83: {  	_ =	shalt  }
0x84: {  	_ =	shalt  }
0x85: {  	_ =	shalt  }
0x86: {  	_ =	shalt  }
0x87: {  	_ =	shalt  }
.Lfunc_end0:
.L_simem_size_0:
called_computation_lowered:
.L_overlay_start_0:
0x88: {  	s2 =	sld [smem:$0x3FD9]  }
0x89: {  	s3 =	sld [smem:$0x3FFE];
	_ =	sdelay $0x1  }
0x8a: {  	s1 =	srdreg.scid  }
0x8b: {  	s0 =	sand.u32 $0x1, s1  }
0x8c: {  	s14 =	sshll.u32 s0, $0xA;
	s2 =	sadd.s32 s3, s2  }
0x8d: {  	s2 =	sadd.s32 s2, s14  }
0x8e: {  	[smem:$0x3FC2] =	sst s2  }
0x8f: {  	_ = 	snop  }
0x90: {  	s2 =	sld [smem:$0x3FD0];
	_ =	sdelay $0x2  }
0x91: {  	s15 =	simm.s32 $0xA;
	s4 =	simm.s32 $0x10  }
0x92: {  	[smem:s4], [sflag:s15] =	dma.local [hbm:s2], $0x1  }
0x93: {  	_ =	swait.eq [sflag:s15], $0x1  }
0x94: {  	[sflag:s15] =	ssyncset.done $0x0  }
0x95: {  	[sflag:s15] =	ssyncadd.s32 $0xFFFFFFFF  }
0x96: {  	s16 =	sld [smem:$0x10];
	(tm) =	ssettm $0x1  }
0x97: {  	s17 =	sld [smem:$0x3FFB];
	_ =	sdelay $0x3  }
0x98: {  	_ =	strace s17  }
0x99: {  	s3 =	sld [smem:$0x3FFC];
	_ =	sdelay $0x3  }
0x9a: {  	_ =	strace s3  }
0x9b: {  	s3 =	sld [smem:$0x3FFD];
	_ =	sdelay $0x3  }
0x9c: {  	_ =	strace s3  }
0x9d: {  	_ =	strace $0x8FFFFFFF  }
0x9e: {  	s18 =	sld [smem:$0x3FDB];
	_ =	sdelay $0x1  }
0x9f: {  	s19 =	simm.s32 $_scs_section_size  }
0xa0: {  	s5 =	simm.s32 $_size__tile_overlayer_lowered;
	s6 =	simm.s32 $_tile_overlayer_lowered  }
0xa1: {  	s22 =	simm.s32 $0x1BFF;
	s21 =	sshll.u32 s6, $0x1;
	s3 =	sadd.s32 s19, s18  }
0xa2: {  	s7 =	simm.s32 $0x0;
	s20 =	sshll.u32 s5, $0x1;
	s5 =	sadd.s32 s21, s3  }
0xa3: {  	[timem:s7], [sflag:s22] =	dma.local [hbm:s5], s20  }
0xa4: {  	_ =	swait.ge [sflag:s22], s20  }
0xa5: {  	s4 =	ssub.s32 $0x0, s20;
	[sflag:s22] =	ssyncset.done $0x0  }
0xa6: {  	[sflag:s22] =	ssyncadd.s32 s4;
	_ =	sdelay $0x1  }
0xa7: {  	s23 =	simm.s32 $0x1B8B  }
0xa8: {  	_ =	swait.ge [sflag:s23], $0x1  }
0xa9: {  	[sflag:s23] =	ssyncset.done $0x0  }
0xaa: {  	s25 =	simm.s32 $0x1B8E;
	s24 =	sld [smem:$0x3FFE];
	[sflag:s23] =	ssyncadd.s32 $0xFFFFFFFF  }
0xab: {  	s26 =	simm.s32 $execute0_lowered;
	[smem:$0x3FD2] =	sst s25  }
0xac: {  	s5 =	sshll.u32 s26, $0x1;
	_ =	strace $0x80000046;
	[dreg:$0x1] =	wrdreg $0xFFFFFFFF  }
0xad: {  	s28 =	simm.s32 $_size_execute0_lowered;
	s3 =	sadd.s32 s3, s5;
	[dreg:$0x0] =	wrdreg $0x0  }
0xae: {  	s5 =	sshll.u32 s28, $0x1;
	[dreg:$0x2] =	wrdreg s3  }
0xaf: {  	[dreg:$0x3] =	wrdreg s5  }
0xb0: {  	[dreg:$0x4] =	wrdreg $0xC0  }
0xb1: {  	_ =	task [dreg:s7], $0x5FFFF  }
0xb2: {  	[dreg:$0x1] =	wrdreg $0xFFFFFFFF  }
0xb3: {  	[dreg:$0x0] =	wrdreg $0x60  }
0xb4: {  	[dreg:$0x2] =	wrdreg s16  }
0xb5: {  	[dreg:$0x3] =	wrdreg s24  }
0xb6: {  	[dreg:$0x4] =	wrdreg $0x9  }
0xb7: {  	_ =	task.clear_ibuf [dreg:s7], $0x5FFFF;
	_ =	strace $0x90000046  }
0xb8: {  	s29 =	simm.s32 $0x9;
	_ =	strace $0x80000048  }
0xb9: {  	_ =	swait.ge [sflag:s29], $0x1  }
0xba: {  	[sflag:s29] =	ssyncadd.s32 $0xFFFFFFFF  }
0xbb: {  	_ =	strace $0x90000048  }
0xbc: {  	_ =	sfence  }
0xbd: {  	s30 =	sld [smem:$0x0];
	_ =	sdelay $0x2  }
0xbe: {  	s31 =	sshll.u32 s1, $0xD;
	s1 =	sshrl.u32 s1, $0x2  }
0xbf: {  	s3 =	sand.u32 $0x4000, s31;
	s1 =	sadd.s32 s1, s30  }
0xc0: {  	s0 =	sor.u32 s3, s0;
	s1 =	sshll.u32 s1, $0x11  }
0xc1: {  	s0 =	sor.u32 s1, s0  }
0xc2: {  	s0 =	sadd.s32 $0x8F2B, s0  }
0xc3: {  	[sflag:s0] =	ssyncadd.remote.s32 $0x1  }
0xc4: {  	_ =	sfence.sel $0xFFFF  }
0xc5: {  	[dreg:$0x0] =	wrdreg $0xFFFFFFFF;
	(pc) =	sbr.abs _section_cstart, $3  }
0xc6: {  	[dreg:$0x1] =	wrdreg $0xFFFFFFFF  }
0xc7: {  	_ =	task.clear_ibuf [dreg:s7], $0x2FFFF;
	_ =	strace $0x9FFFFFFF  }
0xc8: {  	(tm) =	ssettm $0x7FFFFFFF  }
0xc9: {  	_ =	shalt  }
tec
execute0_lowered:
.L_overlay_start_1:
0x0: {  	(tag) =	ssettag $0x1  }
0x1: {  	s1 =	rddreg [dreg:$0x0]  }
0x2: {  	s4 =	rddreg [dreg:$0x1]  }
0x3: {  	s0 =	rddreg [dreg:$0x2];
	s5 =	srdreg.scid  }
0x4: {  	s3 =	simm.s32 $0x0;
	s2 =	stileid.u32;
	s10 =	simm.s32 $0x1080  }
0x5: {  	s11 =	simm.s32 $0x1880;
	s12 =	simm.s32 $0x2080;
	s13 =	simm.s32 $0x2880  }
0x6: {  	s14 =	simm.s32 $0x3080;
	s15 =	simm.s32 $0x3880;
	s16 =	simm.s32 $0x4080  }
0x7: {  	s17 =	simm.s32 $0x4880;
	s18 =	simm.s32 $0x5080;
	s19 =	simm.s32 $0x5880  }
0x8: {  	s20 =	simm.s32 $0x6080;
	s21 =	simm.s32 $0x6880;
	s22 =	simm.s32 $0x7080  }
0x9: {  	s23 =	simm.s32 $0x7880;
	s24 =	simm.s32 $0x1;
	s25 =	simm.s32 $0x0  }
0xa: {  	s5 =	sand.u32 $0x1, s5;
	[smem:$0x7FF] =	sst s3;
	s6 =	sshll.u32 s2, $0xC  }
0xb: {  	s8 =	sshll.u32 s2, $0x11;
	s7 =	sshll.u32 s5, $0xB;
	_ =	strace $0x80000047  }
0xc: {  	s31 =	ssub.s32 $0x2, s5;
	s8 =	sadd.s32 s8, s4;
	s5 =	sshll.u32 s5, $0x10  }
0xd: {  	s6 =	sor.u32 s7, s6;
	s9 =	sshrl.u32 s31, $0x1;
	s5 =	sadd.s32 s5, s8  }
0xe: {  	v2 =	vlaneseq.u32;
	s8 =	simm.s32 $0x80;
	s6 =	sshrl.u32 s6, $0x3;
	s7 =	ssub.s32 s31, s9  }
0xf: {  	vm0 =	vmmov $0xffff;
	v1 =	vshrl.u32 v2, $0x3;
	s5 =	sadd.s32 $0x3A00, s5;
	s9 =	simm.s32 $0x880;
	s6 =	sadd.s32 s6, s4  }
0x10: {  	v0 =	vand.u32 $0x7, v2;
	v2 =	vor.u32 $0x8, v2;
	v1 =	vmul.u32 $0x8, v1;
	s4 =	smax.u32 s7, $0x1;
	s7 =	simm.s32 $0x2;
	s6 =	sadd.s32 $0x1A00, s6  }
.LBB2_1:
0x11: {  	s26 =	smov.u32 s5;
	s28 =	simm.s32 $0x0  }
.LBB2_2:
0x12: {  	s29 =	sadd.s32 s28, s6  }
0x13: {  	[tilespmem:s3], [sflag:$0x2] =	stream.linear.gather [hbm4b:s29+s3], $0x80, $0x38;
	[tilespmem:$0x8080] =	vst v63  }
0x14: {  	_ =	swait.ge [sflag:s7], $0x80  }
0x15: {  	[sflag:s7] =	ssyncset.done $0x0  }
0x16: {  	[sflag:s7] =	ssyncadd.s32 $0xFFFFFF80  }
0x17: {  	v3 =	vld [tilespmem:$0x0];
	_ =	sdelay $0x4  }
0x18: {  	v4 =	vshll.u32 v3, $0x1  }
0x19: {  	v3 =	vand.u32 $0x7, v3;
	v4 =	vand.u32 $0xFFFFFFF0, v4  }
0x1a: {  	v3 =	vor.u32 v3, v4  }
0x1b: {  	v4 =	vperm.xlane v3, v0;
	_ =	sdelay $0x1  }
0x1c: {  	v3 =	vperm.xlane v3, v2;
	v4 =	vadd.s32 v1, v4;
	_ =	sdelay $0x1  }
0x1d: {  	v3 =	vadd.s32 v1, v3;
	_ =	sdelay $0x2  }
0x1e: {  	[tilespmem:s8], [sflag:$0x1] =	stream.indirect_vreg.gather [hbm4b:s1+s3], $0x80, v4, vm0, $0xb8;
	[tilespmem:$0x8080] =	vst v63  }
0x1f: {  	_ = 	snop  }
0x20: {  	[tilespmem:s9], [sflag:$0x1] =	stream.indirect_vreg.gather [hbm4b:s1+s3], $0x80, v3, vm0, $0xb8;
	[tilespmem:$0x8080] =	vst v63  }
0x21: {  	v3 =	vld [tilespmem:$0x10];
	_ =	sdelay $0x4  }
0x22: {  	v57 =	vshll.u32 v3, $0x1  }
0x23: {  	v3 =	vand.u32 $0x7, v3;
	v4 =	vand.u32 $0xFFFFFFF0, v57  }
0x24: {  	v3 =	vor.u32 v3, v4  }
0x25: {  	v4 =	vperm.xlane v3, v0;
	_ =	sdelay $0x1  }
0x26: {  	v3 =	vperm.xlane v3, v2;
	v4 =	vadd.s32 v1, v4;
	_ =	sdelay $0x1  }
0x27: {  	v3 =	vadd.s32 v1, v3;
	_ =	sdelay $0x2  }
0x28: {  	[tilespmem:s10], [sflag:$0x1] =	stream.indirect_vreg.gather [hbm4b:s1+s3], $0x80, v4, vm0, $0xb8;
	[tilespmem:$0x8080] =	vst v63  }
0x29: {  	_ = 	snop  }
0x2a: {  	[tilespmem:s11], [sflag:$0x1] =	stream.indirect_vreg.gather [hbm4b:s1+s3], $0x80, v3, vm0, $0xb8;
	[tilespmem:$0x8080] =	vst v63  }
0x2b: {  	v3 =	vld [tilespmem:$0x20];
	_ =	sdelay $0x4  }
0x2c: {  	v58 =	vshll.u32 v3, $0x1  }
0x2d: {  	v3 =	vand.u32 $0x7, v3;
	v4 =	vand.u32 $0xFFFFFFF0, v58  }
0x2e: {  	v3 =	vor.u32 v3, v4  }
0x2f: {  	v4 =	vperm.xlane v3, v0;
	_ =	sdelay $0x1  }
0x30: {  	v3 =	vperm.xlane v3, v2;
	v4 =	vadd.s32 v1, v4;
	_ =	sdelay $0x1  }
0x31: {  	v3 =	vadd.s32 v1, v3;
	_ =	sdelay $0x2  }
0x32: {  	[tilespmem:s12], [sflag:$0x1] =	stream.indirect_vreg.gather [hbm4b:s1+s3], $0x80, v4, vm0, $0xb8;
	[tilespmem:$0x8080] =	vst v63  }
0x33: {  	_ = 	snop  }
0x34: {  	[tilespmem:s13], [sflag:$0x1] =	stream.indirect_vreg.gather [hbm4b:s1+s3], $0x80, v3, vm0, $0xb8;
	[tilespmem:$0x8080] =	vst v63  }
0x35: {  	v3 =	vld [tilespmem:$0x30];
	_ =	sdelay $0x4  }
0x36: {  	v59 =	vshll.u32 v3, $0x1  }
0x37: {  	v3 =	vand.u32 $0x7, v3;
	v4 =	vand.u32 $0xFFFFFFF0, v59  }
0x38: {  	v3 =	vor.u32 v3, v4  }
0x39: {  	v4 =	vperm.xlane v3, v0;
	_ =	sdelay $0x1  }
0x3a: {  	v3 =	vperm.xlane v3, v2;
	v4 =	vadd.s32 v1, v4;
	_ =	sdelay $0x1  }
0x3b: {  	v3 =	vadd.s32 v1, v3;
	_ =	sdelay $0x2  }
0x3c: {  	[tilespmem:s14], [sflag:$0x1] =	stream.indirect_vreg.gather [hbm4b:s1+s3], $0x80, v4, vm0, $0xb8;
	[tilespmem:$0x8080] =	vst v63  }
0x3d: {  	_ = 	snop  }
0x3e: {  	[tilespmem:s15], [sflag:$0x1] =	stream.indirect_vreg.gather [hbm4b:s1+s3], $0x80, v3, vm0, $0xb8;
	[tilespmem:$0x8080] =	vst v63  }
0x3f: {  	v3 =	vld [tilespmem:$0x40];
	_ =	sdelay $0x4  }
0x40: {  	v60 =	vshll.u32 v3, $0x1  }
0x41: {  	v3 =	vand.u32 $0x7, v3;
	v4 =	vand.u32 $0xFFFFFFF0, v60  }
0x42: {  	v3 =	vor.u32 v3, v4  }
0x43: {  	v4 =	vperm.xlane v3, v0;
	_ =	sdelay $0x1  }
0x44: {  	v3 =	vperm.xlane v3, v2;
	v4 =	vadd.s32 v1, v4;
	_ =	sdelay $0x1  }
0x45: {  	v3 =	vadd.s32 v1, v3;
	_ =	sdelay $0x2  }
0x46: {  	[tilespmem:s16], [sflag:$0x1] =	stream.indirect_vreg.gather [hbm4b:s1+s3], $0x80, v4, vm0, $0xb8;
	[tilespmem:$0x8080] =	vst v63  }
0x47: {  	_ = 	snop  }
0x48: {  	[tilespmem:s17], [sflag:$0x1] =	stream.indirect_vreg.gather [hbm4b:s1+s3], $0x80, v3, vm0, $0xb8;
	[tilespmem:$0x8080] =	vst v63  }
0x49: {  	v3 =	vld [tilespmem:$0x50];
	_ =	sdelay $0x4  }
0x4a: {  	v61 =	vshll.u32 v3, $0x1  }
0x4b: {  	v3 =	vand.u32 $0x7, v3;
	v4 =	vand.u32 $0xFFFFFFF0, v61  }
0x4c: {  	v3 =	vor.u32 v3, v4  }
0x4d: {  	v4 =	vperm.xlane v3, v0;
	_ =	sdelay $0x1  }
0x4e: {  	v3 =	vperm.xlane v3, v2;
	v4 =	vadd.s32 v1, v4;
	_ =	sdelay $0x1  }
0x4f: {  	v3 =	vadd.s32 v1, v3;
	_ =	sdelay $0x2  }
0x50: {  	[tilespmem:s18], [sflag:$0x1] =	stream.indirect_vreg.gather [hbm4b:s1+s3], $0x80, v4, vm0, $0xb8;
	[tilespmem:$0x8080] =	vst v63  }
0x51: {  	_ = 	snop  }
0x52: {  	[tilespmem:s19], [sflag:$0x1] =	stream.indirect_vreg.gather [hbm4b:s1+s3], $0x80, v3, vm0, $0xb8;
	[tilespmem:$0x8080] =	vst v63  }
0x53: {  	v3 =	vld [tilespmem:$0x60];
	_ =	sdelay $0x4  }
0x54: {  	v62 =	vshll.u32 v3, $0x1  }
0x55: {  	v3 =	vand.u32 $0x7, v3;
	v4 =	vand.u32 $0xFFFFFFF0, v62  }
0x56: {  	v3 =	vor.u32 v3, v4  }
0x57: {  	v4 =	vperm.xlane v3, v0;
	_ =	sdelay $0x1  }
0x58: {  	v3 =	vperm.xlane v3, v2;
	v4 =	vadd.s32 v1, v4;
	_ =	sdelay $0x1  }
0x59: {  	v3 =	vadd.s32 v1, v3;
	_ =	sdelay $0x2  }
0x5a: {  	[tilespmem:s20], [sflag:$0x1] =	stream.indirect_vreg.gather [hbm4b:s1+s3], $0x80, v4, vm0, $0xb8;
	[tilespmem:$0x8080] =	vst v63  }
0x5b: {  	_ = 	snop  }
0x5c: {  	[tilespmem:s21], [sflag:$0x1] =	stream.indirect_vreg.gather [hbm4b:s1+s3], $0x80, v3, vm0, $0xb8;
	[tilespmem:$0x8080] =	vst v63  }
0x5d: {  	v3 =	vld [tilespmem:$0x70];
	_ =	sdelay $0x4  }
0x5e: {  	v63 =	vshll.u32 v3, $0x1  }
0x5f: {  	v3 =	vand.u32 $0x7, v3;
	v4 =	vand.u32 $0xFFFFFFF0, v63  }
0x60: {  	v3 =	vor.u32 v3, v4  }
0x61: {  	v4 =	vperm.xlane v3, v0;
	_ =	sdelay $0x1  }
0x62: {  	v3 =	vperm.xlane v3, v2;
	v4 =	vadd.s32 v1, v4;
	_ =	sdelay $0x1  }
0x63: {  	v3 =	vadd.s32 v1, v3;
	_ =	sdelay $0x2  }
0x64: {  	[tilespmem:s22], [sflag:$0x1] =	stream.indirect_vreg.gather [hbm4b:s1+s3], $0x80, v4, vm0, $0xb8;
	[tilespmem:$0x8080] =	vst v63  }
0x65: {  	_ = 	snop  }
0x66: {  	[tilespmem:s23], [sflag:$0x1] =	stream.indirect_vreg.gather [hbm4b:s1+s3], $0x80, v3, vm0, $0xb8;
	[tilespmem:$0x8080] =	vst v63  }
0x67: {  	_ =	swait.ge [sflag:s24], $0x8000  }
0x68: {  	p0 =	sne.s32 s28, $0xF0;
	[sflag:s24] =	ssyncset.done $0x0  }
.Ltmp0:
0x69: {  	[sflag:s24] =	ssyncadd.s32 $0xFFFF8000;
	(pc) =	sbr.rel @p0 .LBB2_2-.Ltmp0, $4  }
0x6a: {  	[hbm4b:s26+s3] =	stream.linear.scatter [tilespmem:s8], [sflag:$0x2], $0x8000, $0x38;
	[tilespmem:$0x8080] =	vst v63  }
0x6b: {  	_ =	swait.ge [sflag:s7], $0x8000  }
0x6c: {  	[sflag:s7] =	ssyncset.done $0x0  }
0x6d: {  	s28 =	sadd.s32 $0x10, s28;
	s26 =	sadd.s32 $0x1000, s26;
	[sflag:s7] =	ssyncadd.s32 $0xFFFF8000  }
0x6e: {  	s25 =	sadd.s32 $0x1, s25  }
0x6f: {  	p0 =	sne.s32 s25, s4  }
.Ltmp1:
0x70: {  	_ = 	snop;
	(pc) =	sbr.rel @p0 .LBB2_1-.Ltmp1, $1  }
0x71: {  	_ =	sdelay $0x3  }
0x72: {  	_ =	sfence.sel $0x180000  }
0x73: {  	[bflag:$0x0] =	sbarrier.arrive $0xFFFF  }
0x74: {  	p0 =	sne.s32 s2, $0x0;
	_ =	strace $0x90000047  }
0x75: {  	s0 =	sadd.s32 @!p0 $0x100000, s0;
	[bflag:$0x2] =	sbarrier.arrive $0xFFFF  }
0x76: {  	[sflag:s0] =	ssyncadd.tile.s32 @!p0 $0x1;
	_ =	shalt  }
.Lfunc_end2:
_tile_overlayer_lowered:
.L_overlay_start_2:
0x77: {  	(tag) =	ssettag $0x2  }
0x78: {  	s0 =	rddreg [dreg:$0x0];
	s2 =	stileid.u32  }
0x79: {  	s1 =	rddreg [dreg:$0x1];
	p0 =	sne.s32 s2, $0x0  }
0x7a: {  	s3 =	rddreg [dreg:$0x2];
	[bflag:$0x3] =	sbarrier.arrive $0xFFFF;
	s2 =	simm.s32 @!p0 $0x1C02  }
0x7b: {  	[timem:s3], [sflag:s2] =	dma.local @!p0 [hbm:s0], s1  }
0x7c: {  	s0 =	simm.s32 @!p0 $0x2  }
0x7d: {  	_ =	swait.ge @!p0 [sflag:s0], s1  }
0x7e: {  	s1 =	ssub.s32 @!p0 $0x0, s1;
	[sflag:s0] =	ssyncset.done @!p0 $0x0  }
0x7f: {  	[sflag:s0] =	ssyncadd.s32 @!p0 s1  }
0x80: {  	[bflag:$0x3] =	sbarrier.arrive $0xFFFF  }
0x81: {  	_ =	shalt  }

</sc_bundles>
